<compile_context>
chip_gen: v7x
topology: tpu7x:2x2x1
jax: 0.10.2.dev20260603
libtpu: 0.0.44.dev20260713+nightly
codegen_flags: <defaults>
</compile_context>

<pallas_src>
import functools
import math

import jax
import jax.numpy as jnp
from jax import lax
from jax.experimental import pallas as pl
from jax.experimental.pallas import tpu as pltpu
from jax.experimental.pallas import tpu_sc as plsc

_LEN_MAX = 4096


def _pe_table(S, D, dtype):
    t = (jnp.arange(S + 1, dtype=dtype) - 1)[:, None]
    j = jnp.arange(D // 2, dtype=dtype)[None, :]
    k = j % 2
    return jnp.sin(t / (_LEN_MAX ** ((j - k) / D)) + (math.pi / 2) * k)


@functools.lru_cache(maxsize=None)
def _make_sc_kernel(N, D, V):
    H = D // 2
    NW = 32
    rows_per_w = N // NW
    R = 16
    NSLOT = 4
    NPE = 4
    n_chunks = rows_per_w // R
    n_iter = n_chunks // NSLOT
    nv32 = H // 32

    mesh = plsc.VectorSubcoreMesh(core_axis_name="c", subcore_axis_name="s")

    scratch = (
        [pltpu.VMEM((R, D), jnp.float32) for _ in range(NSLOT)]
        + [pltpu.VMEM((2 * R, H // 2), jnp.int32) for _ in range(NPE)]
        + [pltpu.VMEM((2 * (N // NW),), jnp.int32)]
        + [pltpu.SemaphoreType.DMA for _ in range(2 * NSLOT + NPE)]
    )

    @functools.partial(
        pl.kernel,
        out_type=jax.ShapeDtypeStruct((N, D), jnp.float32),
        mesh=mesh,
        scratch_types=scratch,
    )
    def k(x_hbm, idx_hbm, pe_hbm, out_hbm, *refs):
        xslots = refs[0:NSLOT]
        pes = refs[NSLOT:NSLOT + NPE]
        idxall = refs[NSLOT + NPE]
        sems = refs[NSLOT + NPE + 1:]
        semins = sems[0:NSLOT]
        semouts = sems[NSLOT:2 * NSLOT]
        sempes = sems[2 * NSLOT:]

        wid = lax.axis_index("s") * 2 + lax.axis_index("c")
        base0 = wid * rows_per_w

        def issue_in(c, xs, ps):
            base = base0 + c * R
            pltpu.async_copy(x_hbm.at[pl.ds(base, R)], xslots[xs], semins[xs])
            pltpu.async_copy(pe_hbm.at[idxall.at[pl.ds(2 * c * R, 2 * R)]],
                             pes[ps], sempes[ps])

        def wait_in(xs, ps):
            pltpu.make_async_copy(
                x_hbm.at[pl.ds(0, R)], xslots[xs], semins[xs]).wait()
            pltpu.make_async_copy(
                pe_hbm.at[pl.ds(0, 2 * R)], pes[ps], sempes[ps]).wait()

        def issue_out(c, xs):
            base = base0 + c * R
            pltpu.async_copy(xslots[xs], out_hbm.at[pl.ds(base, R)],
                             semouts[xs])

        def wait_out(xs):
            pltpu.make_async_copy(
                xslots[xs], out_hbm.at[pl.ds(0, R)], semouts[xs]).wait()

        def compute(xs, ps):
            xb, pe_ = xslots[xs], pes[ps]

            @plsc.parallel_loop(0, 2 * R * nv32, unroll=8)
            def _vec(i):
                rr = lax.shift_right_logical(i, 4)
                r = lax.bitwise_and(rr, R - 1)
                half = lax.shift_left(lax.bitwise_and(rr, R), 5)
                v2 = lax.shift_left(lax.bitwise_and(i, nv32 - 1), 4)
                w = pe_[rr, pl.ds(pl.multiple_of(v2, 16), 16)]
                a = lax.bitcast_convert_type(
                    lax.shift_left(w, 16), jnp.float32)
                b = lax.bitcast_convert_type(
                    lax.bitwise_and(w, jnp.int32(-65536)), jnp.float32)
                o = pl.multiple_of(half + 2 * v2, 16)
                plsc.addupdate(xb.at[r, pl.ds(o, 16)], a)
                plsc.addupdate(xb.at[r, pl.ds(o + 16, 16)], b)

        pltpu.sync_copy(idx_hbm.at[pl.ds(2 * base0, 2 * rows_per_w)], idxall)
        issue_in(jnp.int32(0), 0, 0)
        issue_in(jnp.int32(1), 1, 1)

        def body(q, carry):
            c0 = q * NSLOT
            for j in range(NSLOT):
                c = c0 + j
                wait_in(j, j)
                t = (j + 2) % NSLOT
                if j < 2:
                    @pl.when(q > 0)
                    def _():
                        wait_out(t)

                    issue_in(c + 2, t, t)
                else:
                    @pl.when(q < n_iter - 1)
                    def _():
                        wait_out(t)
                        issue_in(c + 2, t, t)
                compute(j, j)
                issue_out(c, j)
            return carry

        lax.fori_loop(0, n_iter, body, 0)
        for s in range(NSLOT):
            wait_out(s)

    return k


def kernel(x, order):
    B, S, D = x.shape
    N, H, R = B * S, D // 2, 16
    pe = _pe_table(S, D, x.dtype)
    pe16 = (pe.astype(jnp.bfloat16)
            .reshape(S + 1, H // 32, 2, 16)
            .transpose(0, 1, 3, 2)
            .reshape(S + 1, H // 2, 2))
    pe16 = lax.bitcast_convert_type(pe16, jnp.int32)
    idx_out = (order + 1).astype(jnp.int32)
    idx_in = jnp.pad(idx_out, ((0, 0), (1, 0)))[:, :S]
    idxcat = jnp.concatenate(
        [idx_in.reshape(N // R, R), idx_out.reshape(N // R, R)], axis=1
    ).reshape(-1)
    sc = _make_sc_kernel(N, D, S + 1)
    out = sc(x.reshape(N, D), idxcat, pe16)
    return out.reshape(B, S, D)

# --- scband reference (transcript-rebuilt; emitter-appended) ---
"""Pipeline reference for scband-add-double-positional-encoding-57226144252722 (READ-ONLY COPY).

The authoritative reference and input builder live on the scoring server;
editing this copy changes nothing except your own understanding.
"""

import jax, jax.numpy as jnp
import numpy as np
import math

LEN_MAX = 4096


def setup_inputs(seed: int = 0) -> dict:
    key = jax.random.key(seed)
    k1, k2 = jax.random.split(key)
    x = jax.random.normal(k1, (4, 4096, 1024), dtype=jnp.float32)
    order = jax.random.randint(k2, (4, 4096), 0, 4096, dtype=jnp.int32)
    return {"x": x, "order": order}


def _compute_pe(B, S, D, dtype):
    # t = arange(S+1) - 1 so index 0 corresponds to position -1 (start token)
    t = (jnp.arange(S + 1, dtype=dtype) - 1)[:, None]
    j = jnp.arange(D // 2, dtype=dtype)[None, :]
    k = j % 2
    pe = jnp.sin(t / (LEN_MAX ** ((j - k) / D)) + (math.pi / 2) * k)  # [S+1, D//2]
    return jnp.broadcast_to(pe[None], (B, S + 1, D // 2))


def reference(x, order):
    # Faithful translation of AddDoublePositionalEncoding.forward with
    # bs.first == 0 and bs.nb == seq_len (full-sequence bracketed slice).
    B, S, D = x.shape
    pe = _compute_pe(B, S, D, x.dtype)  # [B, S+1, D//2]
    order_output = order + 1
    # F.pad(order + 1, (1, -1)): shift right by one, dropping the last element
    order_input = jnp.pad(order + 1, ((0, 0), (1, 0)))[:, :S]
    idx_in = jnp.broadcast_to(order_input[:, :, None], (B, S, D // 2))
    idx_out = jnp.broadcast_to(order_output[:, :, None], (B, S, D // 2))
    pe_input = jnp.take_along_axis(pe, idx_in, axis=1)   # gather rows of pe
    pe_output = jnp.take_along_axis(pe, idx_out, axis=1)
    pe_cat = jnp.concatenate((pe_input, pe_output), axis=2)  # [B, S, D]
    # cache_y[:, first:first+nb] = bs.slice() + pe[:, first:first+nb] with first=0, nb=S
    return x + pe_cat

if __name__ == "__main__":
    import jax
    _d = setup_inputs()
    print(jax.jit(kernel)(*tuple(_d.values())))

</pallas_src>

<mosaic_0001>
#map = affine_map<(d0, d1) -> (0, 0)>
#map1 = affine_map<(d0, d1) -> (0)>
module attributes {stable_mosaic.version = 14 : i64} {
  func.func @k(%arg0: i32, %arg1: i32, %arg2: memref<16384x1024xf32, #tpu.memory_space<hbm>>, %arg3: memref<32768xi32, #tpu.memory_space<hbm>>, %arg4: memref<4097x256xi32, #tpu.memory_space<hbm>>, %arg5: memref<16384x1024xf32, #tpu.memory_space<hbm>>, %arg6: memref<16x1024xf32, #tpu.memory_space<vmem>>, %arg7: memref<16x1024xf32, #tpu.memory_space<vmem>>, %arg8: memref<16x1024xf32, #tpu.memory_space<vmem>>, %arg9: memref<16x1024xf32, #tpu.memory_space<vmem>>, %arg10: memref<32x256xi32, #tpu.memory_space<vmem>>, %arg11: memref<32x256xi32, #tpu.memory_space<vmem>>, %arg12: memref<32x256xi32, #tpu.memory_space<vmem>>, %arg13: memref<32x256xi32, #tpu.memory_space<vmem>>, %arg14: memref<1024xi32, #tpu.memory_space<vmem>>, %arg15: memref<!tpu.dma_semaphore, #tpu.memory_space<semaphore_mem>>, %arg16: memref<!tpu.dma_semaphore, #tpu.memory_space<semaphore_mem>>, %arg17: memref<!tpu.dma_semaphore, #tpu.memory_space<semaphore_mem>>, %arg18: memref<!tpu.dma_semaphore, #tpu.memory_space<semaphore_mem>>, %arg19: memref<!tpu.dma_semaphore, #tpu.memory_space<semaphore_mem>>, %arg20: memref<!tpu.dma_semaphore, #tpu.memory_space<semaphore_mem>>, %arg21: memref<!tpu.dma_semaphore, #tpu.memory_space<semaphore_mem>>, %arg22: memref<!tpu.dma_semaphore, #tpu.memory_space<semaphore_mem>>, %arg23: memref<!tpu.dma_semaphore, #tpu.memory_space<semaphore_mem>>, %arg24: memref<!tpu.dma_semaphore, #tpu.memory_space<semaphore_mem>>, %arg25: memref<!tpu.dma_semaphore, #tpu.memory_space<semaphore_mem>>, %arg26: memref<!tpu.dma_semaphore, #tpu.memory_space<semaphore_mem>>) attributes {dimension_semantics = [#tpu.dimension_semantics<core_parallel>, #tpu.dimension_semantics<subcore_parallel>], iteration_bounds = array<i64: 2, 16>, scalar_prefetch = 0 : i64, scratch_operands = 21 : i64, tpu.core_type = #tpu.core_type<sc_vector_subcore>, window_params = [{transform_indices = #map}, {transform_indices = #map1}, {transform_indices = #map}, {transform_indices = #map}]} {
    %mul3A = arith.constant 2 : i32
    %mul3A_0 = arith.muli %arg1, %mul3A : i32
    %add3A = arith.addi %mul3A_0, %arg0 : i32
    %mul3A_1 = arith.constant 512 : i32
    %mul3A_2 = arith.muli %add3A, %mul3A_1 : i32
    %mul3A_3 = arith.constant 2 : i32
    %mul3A_4 = arith.muli %mul3A_3, %mul3A_2 : i32
    "tpu.region"() ({
      %run_scoped3A = tpu.sem_alloc : memref<!tpu.dma_semaphore, #tpu.memory_space<semaphore_mem>>
      %dma_start3A_66 = tpu.memref_slice %arg3[%mul3A_4] : memref<32768xi32, #tpu.memory_space<hbm>> -> memref<1024xi32, #tpu.memory_space<hbm>>
      %dma_start3A_67 = tpu.memref_slice %arg3[%mul3A_4] : memref<32768xi32, #tpu.memory_space<hbm>> -> memref<1024xi32, #tpu.memory_space<hbm>>
      tpu.enqueue_dma source(%dma_start3A_67 : memref<1024xi32, #tpu.memory_space<hbm>>) target(%arg14 : memref<1024xi32, #tpu.memory_space<vmem>>) target_semaphore(%run_scoped3A : memref<!tpu.dma_semaphore, #tpu.memory_space<semaphore_mem>>)
      %dma_wait3A_68 = tpu.memref_slice %arg3[%mul3A_4] : memref<32768xi32, #tpu.memory_space<hbm>> -> memref<1024xi32, #tpu.memory_space<hbm>>
      %dma_wait3A_69 = tpu.memref_slice %arg3[%mul3A_4] : memref<32768xi32, #tpu.memory_space<hbm>> -> memref<1024xi32, #tpu.memory_space<hbm>>
      tpu.wait_dma2 semaphore(%run_scoped3A : memref<!tpu.dma_semaphore, #tpu.memory_space<semaphore_mem>>) src(%dma_wait3A_69 : memref<1024xi32, #tpu.memory_space<hbm>>) dst(%arg14 : memref<1024xi32, #tpu.memory_space<vmem>>)
      tpu.yield
    }) : () -> ()
    %mul3A_5 = arith.constant 0 : i32
    %mul3A_6 = arith.constant 16 : i32
    %mul3A_7 = arith.muli %mul3A_5, %mul3A_6 : i32
    %add3A_8 = arith.addi %mul3A_2, %mul3A_7 : i32
    %dma_start3A = arith.constant 0 : i32
    %dma_start3A_9 = tpu.memref_slice %arg2[%add3A_8, %dma_start3A] : memref<16384x1024xf32, #tpu.memory_space<hbm>> -> memref<16x1024xf32, #tpu.memory_space<hbm>>
    %dma_start3A_10 = arith.constant 0 : i32
    %dma_start3A_11 = tpu.memref_slice %arg2[%add3A_8, %dma_start3A_10] : memref<16384x1024xf32, #tpu.memory_space<hbm>> -> memref<16x1024xf32, #tpu.memory_space<hbm>>
    tpu.enqueue_dma source(%dma_start3A_11 : memref<16x1024xf32, #tpu.memory_space<hbm>>) target(%arg6 : memref<16x1024xf32, #tpu.memory_space<vmem>>) target_semaphore(%arg15 : memref<!tpu.dma_semaphore, #tpu.memory_space<semaphore_mem>>)
    %mul3A_12 = arith.constant 2 : i32
    %mul3A_13 = arith.constant 0 : i32
    %mul3A_14 = arith.muli %mul3A_12, %mul3A_13 : i32
    %mul3A_15 = arith.constant 16 : i32
    %mul3A_16 = arith.muli %mul3A_14, %mul3A_15 : i32
    %dma_start3A_17 = tpu.memref_slice %arg14[%mul3A_16] : memref<1024xi32, #tpu.memory_space<vmem>> -> memref<32xi32, #tpu.memory_space<vmem>>
    %dma_start3A_18 = arith.constant 0 : i32
    %dma_start3A_19 = arith.constant 0 : i32
    %dma_start3A_20 = tpu.memref_slice %arg4[%dma_start3A_18, %dma_start3A_19] : memref<4097x256xi32, #tpu.memory_space<hbm>> -> memref<4097x256xi32, #tpu.memory_space<hbm>>
    tpu.enqueue_indirect_dma source(%dma_start3A_20 : memref<4097x256xi32, #tpu.memory_space<hbm>>) target(%arg10 : memref<32x256xi32, #tpu.memory_space<vmem>>) offsets(%dma_start3A_17 : memref<32xi32, #tpu.memory_space<vmem>>) semaphore(%arg23 : memref<!tpu.dma_semaphore, #tpu.memory_space<semaphore_mem>>)
    %mul3A_21 = arith.constant 1 : i32
    %mul3A_22 = arith.constant 16 : i32
    %mul3A_23 = arith.muli %mul3A_21, %mul3A_22 : i32
    %add3A_24 = arith.addi %mul3A_2, %mul3A_23 : i32
    %dma_start3A_25 = arith.constant 0 : i32
    %dma_start3A_26 = tpu.memref_slice %arg2[%add3A_24, %dma_start3A_25] : memref<16384x1024xf32, #tpu.memory_space<hbm>> -> memref<16x1024xf32, #tpu.memory_space<hbm>>
    %dma_start3A_27 = arith.constant 0 : i32
    %dma_start3A_28 = tpu.memref_slice %arg2[%add3A_24, %dma_start3A_27] : memref<16384x1024xf32, #tpu.memory_space<hbm>> -> memref<16x1024xf32, #tpu.memory_space<hbm>>
    tpu.enqueue_dma source(%dma_start3A_28 : memref<16x1024xf32, #tpu.memory_space<hbm>>) target(%arg7 : memref<16x1024xf32, #tpu.memory_space<vmem>>) target_semaphore(%arg16 : memref<!tpu.dma_semaphore, #tpu.memory_space<semaphore_mem>>)
    %mul3A_29 = arith.constant 2 : i32
    %mul3A_30 = arith.constant 1 : i32
    %mul3A_31 = arith.muli %mul3A_29, %mul3A_30 : i32
    %mul3A_32 = arith.constant 16 : i32
    %mul3A_33 = arith.muli %mul3A_31, %mul3A_32 : i32
    %dma_start3A_34 = tpu.memref_slice %arg14[%mul3A_33] : memref<1024xi32, #tpu.memory_space<vmem>> -> memref<32xi32, #tpu.memory_space<vmem>>
    %dma_start3A_35 = arith.constant 0 : i32
    %dma_start3A_36 = arith.constant 0 : i32
    %dma_start3A_37 = tpu.memref_slice %arg4[%dma_start3A_35, %dma_start3A_36] : memref<4097x256xi32, #tpu.memory_space<hbm>> -> memref<4097x256xi32, #tpu.memory_space<hbm>>
    tpu.enqueue_indirect_dma source(%dma_start3A_37 : memref<4097x256xi32, #tpu.memory_space<hbm>>) target(%arg11 : memref<32x256xi32, #tpu.memory_space<vmem>>) offsets(%dma_start3A_34 : memref<32xi32, #tpu.memory_space<vmem>>) semaphore(%arg24 : memref<!tpu.dma_semaphore, #tpu.memory_space<semaphore_mem>>)
    %scan3A = arith.constant 0 : i32
    %scan3A_38 = arith.constant 0 : i32
    %scan3A_39 = arith.constant 8 : i32
    %scan3A_40 = arith.addi %scan3A_38, %scan3A_39 : i32
    %scan3A_41 = arith.constant 1 : i32
    scf.for %scan3A_66 = %scan3A_38 to %scan3A_40 step %scan3A_41  : i32 {
      %mul3A_67 = arith.constant 4 : i32
      %mul3A_68 = arith.muli %scan3A_66, %mul3A_67 : i32
      %add3A_69 = arith.constant 0 : i32
      %add3A_70 = arith.addi %mul3A_68, %add3A_69 : i32
      %dma_wait3A_71 = arith.constant 0 : i32
      %dma_wait3A_72 = arith.constant 0 : i32
      %dma_wait3A_73 = tpu.memref_slice %arg2[%dma_wait3A_71, %dma_wait3A_72] : memref<16384x1024xf32, #tpu.memory_space<hbm>> -> memref<16x1024xf32, #tpu.memory_space<hbm>>
      %dma_wait3A_74 = arith.constant 0 : i32
      %dma_wait3A_75 = arith.constant 0 : i32
      %dma_wait3A_76 = tpu.memref_slice %arg2[%dma_wait3A_74, %dma_wait3A_75] : memref<16384x1024xf32, #tpu.memory_space<hbm>> -> memref<16x1024xf32, #tpu.memory_space<hbm>>
      tpu.wait_dma2 semaphore(%arg15 : memref<!tpu.dma_semaphore, #tpu.memory_space<semaphore_mem>>) src(%dma_wait3A_76 : memref<16x1024xf32, #tpu.memory_space<hbm>>) dst(%arg6 : memref<16x1024xf32, #tpu.memory_space<vmem>>)
      %dma_wait3A_77 = arith.constant 0 : i32
      %dma_wait3A_78 = arith.constant 0 : i32
      %dma_wait3A_79 = tpu.memref_slice %arg4[%dma_wait3A_77, %dma_wait3A_78] : memref<4097x256xi32, #tpu.memory_space<hbm>> -> memref<32x256xi32, #tpu.memory_space<hbm>>
      %dma_wait3A_80 = arith.constant 0 : i32
      %dma_wait3A_81 = arith.constant 0 : i32
      %dma_wait3A_82 = tpu.memref_slice %arg4[%dma_wait3A_80, %dma_wait3A_81] : memref<4097x256xi32, #tpu.memory_space<hbm>> -> memref<32x256xi32, #tpu.memory_space<hbm>>
      tpu.wait_dma2 semaphore(%arg23 : memref<!tpu.dma_semaphore, #tpu.memory_space<semaphore_mem>>) src(%dma_wait3A_82 : memref<32x256xi32, #tpu.memory_space<hbm>>) dst(%arg10 : memref<32x256xi32, #tpu.memory_space<vmem>>)
      %gt3A = arith.constant 0 : i32
      %gt3A_83 = arith.cmpi sgt, %scan3A_66, %gt3A : i32
      %convert_element_type3A = arith.extui %gt3A_83 : i1 to i32
      %cond3A = arith.constant 0 : i32
      %cond3A_84 = arith.cmpi ne, %convert_element_type3A, %cond3A : i32
      scf.if %cond3A_84 {
        %dma_wait3A_214 = arith.constant 0 : i32
        %dma_wait3A_215 = arith.constant 0 : i32
        %dma_wait3A_216 = tpu.memref_slice %arg5[%dma_wait3A_214, %dma_wait3A_215] : memref<16384x1024xf32, #tpu.memory_space<hbm>> -> memref<16x1024xf32, #tpu.memory_space<hbm>>
        %dma_wait3A_217 = arith.constant 0 : i32
        %dma_wait3A_218 = arith.constant 0 : i32
        %dma_wait3A_219 = tpu.memref_slice %arg5[%dma_wait3A_217, %dma_wait3A_218] : memref<16384x1024xf32, #tpu.memory_space<hbm>> -> memref<16x1024xf32, #tpu.memory_space<hbm>>
        tpu.wait_dma2 semaphore(%arg21 : memref<!tpu.dma_semaphore, #tpu.memory_space<semaphore_mem>>) src(%arg8 : memref<16x1024xf32, #tpu.memory_space<vmem>>) dst(%dma_wait3A_219 : memref<16x1024xf32, #tpu.memory_space<hbm>>)
      } else {
      }
      %add3A_85 = arith.constant 2 : i32
      %add3A_86 = arith.addi %add3A_70, %add3A_85 : i32
      %mul3A_87 = arith.constant 16 : i32
      %mul3A_88 = arith.muli %add3A_86, %mul3A_87 : i32
      %add3A_89 = arith.addi %mul3A_2, %mul3A_88 : i32
      %dma_start3A_90 = arith.constant 0 : i32
      %dma_start3A_91 = tpu.memref_slice %arg2[%add3A_89, %dma_start3A_90] : memref<16384x1024xf32, #tpu.memory_space<hbm>> -> memref<16x1024xf32, #tpu.memory_space<hbm>>
      %dma_start3A_92 = arith.constant 0 : i32
      %dma_start3A_93 = tpu.memref_slice %arg2[%add3A_89, %dma_start3A_92] : memref<16384x1024xf32, #tpu.memory_space<hbm>> -> memref<16x1024xf32, #tpu.memory_space<hbm>>
      tpu.enqueue_dma source(%dma_start3A_93 : memref<16x1024xf32, #tpu.memory_space<hbm>>) target(%arg8 : memref<16x1024xf32, #tpu.memory_space<vmem>>) target_semaphore(%arg17 : memref<!tpu.dma_semaphore, #tpu.memory_space<semaphore_mem>>)
      %mul3A_94 = arith.constant 2 : i32
      %mul3A_95 = arith.muli %mul3A_94, %add3A_86 : i32
      %mul3A_96 = arith.constant 16 : i32
      %mul3A_97 = arith.muli %mul3A_95, %mul3A_96 : i32
      %dma_start3A_98 = tpu.memref_slice %arg14[%mul3A_97] : memref<1024xi32, #tpu.memory_space<vmem>> -> memref<32xi32, #tpu.memory_space<vmem>>
      %dma_start3A_99 = arith.constant 0 : i32
      %dma_start3A_100 = arith.constant 0 : i32
      %dma_start3A_101 = tpu.memref_slice %arg4[%dma_start3A_99, %dma_start3A_100] : memref<4097x256xi32, #tpu.memory_space<hbm>> -> memref<4097x256xi32, #tpu.memory_space<hbm>>
      tpu.enqueue_indirect_dma source(%dma_start3A_101 : memref<4097x256xi32, #tpu.memory_space<hbm>>) target(%arg12 : memref<32x256xi32, #tpu.memory_space<vmem>>) offsets(%dma_start3A_98 : memref<32xi32, #tpu.memory_space<vmem>>) semaphore(%arg25 : memref<!tpu.dma_semaphore, #tpu.memory_space<semaphore_mem>>)
      %parallel_loop3A = arith.constant 0 : i32
      %parallel_loop3A_102 = arith.constant 512 : i32
      %parallel_loop3A_103 = arith.constant 1 : i32
      scf.for %parallel_loop3A_214 = %parallel_loop3A to %parallel_loop3A_102 step %parallel_loop3A_103  : i32 {
        %parallel_loop3A_215 = arith.constant 4 : i32
        %parallel_loop3A_216 = arith.shrui %parallel_loop3A_214, %parallel_loop3A_215 : i32
        %parallel_loop3A_217 = arith.constant 15 : i32
        %parallel_loop3A_218 = arith.andi %parallel_loop3A_216, %parallel_loop3A_217 : i32
        %parallel_loop3A_219 = arith.constant 16 : i32
        %parallel_loop3A_220 = arith.andi %parallel_loop3A_216, %parallel_loop3A_219 : i32
        %parallel_loop3A_221 = arith.constant 5 : i32
        %parallel_loop3A_222 = arith.shli %parallel_loop3A_220, %parallel_loop3A_221 : i32
        %parallel_loop3A_223 = arith.constant 15 : i32
        %parallel_loop3A_224 = arith.andi %parallel_loop3A_214, %parallel_loop3A_223 : i32
        %parallel_loop3A_225 = arith.constant 4 : i32
        %parallel_loop3A_226 = arith.shli %parallel_loop3A_224, %parallel_loop3A_225 : i32
        %parallel_loop3A_227 = tpu.assume_multiple %parallel_loop3A_226, 16 : i32
        %parallel_loop3A_228 = arith.index_cast %parallel_loop3A_216 : i32 to index
        %parallel_loop3A_229 = arith.index_cast %parallel_loop3A_227 : i32 to index
        %parallel_loop3A_230 = tpu.vector_load %arg10[%parallel_loop3A_228, %parallel_loop3A_229] {strides = array<i32>} : memref<32x256xi32, #tpu.memory_space<vmem>>, vector<1x16xi32>,
        %parallel_loop3A_231 = vector.shape_cast %parallel_loop3A_230 : vector<1x16xi32> to vector<16xi32>
        %parallel_loop3A_232 = arith.constant 16 : i32
        %parallel_loop3A_233 = vector.broadcast %parallel_loop3A_232 : i32 to vector<16xi32>
        %parallel_loop3A_234 = arith.shli %parallel_loop3A_231, %parallel_loop3A_233 : vector<16xi32>
        %parallel_loop3A_235 = tpu.bitcast %parallel_loop3A_234 : vector<16xi32> -> vector<16xf32>
        %parallel_loop3A_236 = arith.constant -65536 : i32
        %parallel_loop3A_237 = vector.broadcast %parallel_loop3A_236 : i32 to vector<16xi32>
        %parallel_loop3A_238 = arith.andi %parallel_loop3A_231, %parallel_loop3A_237 : vector<16xi32>
        %parallel_loop3A_239 = tpu.bitcast %parallel_loop3A_238 : vector<16xi32> -> vector<16xf32>
        %parallel_loop3A_240 = arith.constant 2 : i32
        %parallel_loop3A_241 = arith.muli %parallel_loop3A_240, %parallel_loop3A_226 : i32
        %parallel_loop3A_242 = arith.addi %parallel_loop3A_222, %parallel_loop3A_241 : i32
        %parallel_loop3A_243 = tpu.assume_multiple %parallel_loop3A_242, 16 : i32
        %parallel_loop3A_244 = arith.index_cast %parallel_loop3A_218 : i32 to index
        %parallel_loop3A_245 = arith.index_cast %parallel_loop3A_243 : i32 to index
        %parallel_loop3A_246 = tpu.vector_load %arg6[%parallel_loop3A_244, %parallel_loop3A_245] {strides = array<i32>} : memref<16x1024xf32, #tpu.memory_space<vmem>>, vector<1x16xf32>,
        %parallel_loop3A_247 = vector.shape_cast %parallel_loop3A_246 : vector<1x16xf32> to vector<16xf32>
        %parallel_loop3A_248 = vector.shape_cast %parallel_loop3A_235 : vector<16xf32> to vector<1x16xf32>
        tpu.vector_store %arg6[%parallel_loop3A_244, %parallel_loop3A_245], %parallel_loop3A_248 {add = true, strides = array<i32>} : memref<16x1024xf32, #tpu.memory_space<vmem>>, vector<1x16xf32>,
        %parallel_loop3A_249 = arith.constant 16 : i32
        %parallel_loop3A_250 = arith.addi %parallel_loop3A_243, %parallel_loop3A_249 : i32
        %parallel_loop3A_251 = arith.index_cast %parallel_loop3A_218 : i32 to index
        %parallel_loop3A_252 = arith.index_cast %parallel_loop3A_250 : i32 to index
        %parallel_loop3A_253 = tpu.vector_load %arg6[%parallel_loop3A_251, %parallel_loop3A_252] {strides = array<i32>} : memref<16x1024xf32, #tpu.memory_space<vmem>>, vector<1x16xf32>,
        %parallel_loop3A_254 = vector.shape_cast %parallel_loop3A_253 : vector<1x16xf32> to vector<16xf32>
        %parallel_loop3A_255 = vector.shape_cast %parallel_loop3A_239 : vector<16xf32> to vector<1x16xf32>
        tpu.vector_store %arg6[%parallel_loop3A_251, %parallel_loop3A_252], %parallel_loop3A_255 {add = true, strides = array<i32>} : memref<16x1024xf32, #tpu.memory_space<vmem>>, vector<1x16xf32>,
      } {sc.loop_unroll_factor = 8 : i64, sc.parallel_access}
      %mul3A_104 = arith.constant 16 : i32
      %mul3A_105 = arith.muli %add3A_70, %mul3A_104 : i32
      %add3A_106 = arith.addi %mul3A_2, %mul3A_105 : i32
      %dma_start3A_107 = arith.constant 0 : i32
      %dma_start3A_108 = tpu.memref_slice %arg5[%add3A_106, %dma_start3A_107] : memref<16384x1024xf32, #tpu.memory_space<hbm>> -> memref<16x1024xf32, #tpu.memory_space<hbm>>
      %dma_start3A_109 = arith.constant 0 : i32
      %dma_start3A_110 = tpu.memref_slice %arg5[%add3A_106, %dma_start3A_109] : memref<16384x1024xf32, #tpu.memory_space<hbm>> -> memref<16x1024xf32, #tpu.memory_space<hbm>>
      tpu.enqueue_dma source(%arg6 : memref<16x1024xf32, #tpu.memory_space<vmem>>) target(%dma_start3A_110 : memref<16x1024xf32, #tpu.memory_space<hbm>>) target_semaphore(%arg19 : memref<!tpu.dma_semaphore, #tpu.memory_space<semaphore_mem>>)
      %add3A_111 = arith.constant 1 : i32
      %add3A_112 = arith.addi %mul3A_68, %add3A_111 : i32
      %dma_wait3A_113 = arith.constant 0 : i32
      %dma_wait3A_114 = arith.constant 0 : i32
      %dma_wait3A_115 = tpu.memref_slice %arg2[%dma_wait3A_113, %dma_wait3A_114] : memref<16384x1024xf32, #tpu.memory_space<hbm>> -> memref<16x1024xf32, #tpu.memory_space<hbm>>
      %dma_wait3A_116 = arith.constant 0 : i32
      %dma_wait3A_117 = arith.constant 0 : i32
      %dma_wait3A_118 = tpu.memref_slice %arg2[%dma_wait3A_116, %dma_wait3A_117] : memref<16384x1024xf32, #tpu.memory_space<hbm>> -> memref<16x1024xf32, #tpu.memory_space<hbm>>
      tpu.wait_dma2 semaphore(%arg16 : memref<!tpu.dma_semaphore, #tpu.memory_space<semaphore_mem>>) src(%dma_wait3A_118 : memref<16x1024xf32, #tpu.memory_space<hbm>>) dst(%arg7 : memref<16x1024xf32, #tpu.memory_space<vmem>>)
      %dma_wait3A_119 = arith.constant 0 : i32
      %dma_wait3A_120 = arith.constant 0 : i32
      %dma_wait3A_121 = tpu.memref_slice %arg4[%dma_wait3A_119, %dma_wait3A_120] : memref<4097x256xi32, #tpu.memory_space<hbm>> -> memref<32x256xi32, #tpu.memory_space<hbm>>
      %dma_wait3A_122 = arith.constant 0 : i32
      %dma_wait3A_123 = arith.constant 0 : i32
      %dma_wait3A_124 = tpu.memref_slice %arg4[%dma_wait3A_122, %dma_wait3A_123] : memref<4097x256xi32, #tpu.memory_space<hbm>> -> memref<32x256xi32, #tpu.memory_space<hbm>>
      tpu.wait_dma2 semaphore(%arg24 : memref<!tpu.dma_semaphore, #tpu.memory_space<semaphore_mem>>) src(%dma_wait3A_124 : memref<32x256xi32, #tpu.memory_space<hbm>>) dst(%arg11 : memref<32x256xi32, #tpu.memory_space<vmem>>)
      %gt3A_125 = arith.constant 0 : i32
      %gt3A_126 = arith.cmpi sgt, %scan3A_66, %gt3A_125 : i32
      %convert_element_type3A_127 = arith.extui %gt3A_126 : i1 to i32
      %cond3A_128 = arith.constant 0 : i32
      %cond3A_129 = arith.cmpi ne, %convert_element_type3A_127, %cond3A_128 : i32
      scf.if %cond3A_129 {
        %dma_wait3A_214 = arith.constant 0 : i32
        %dma_wait3A_215 = arith.constant 0 : i32
        %dma_wait3A_216 = tpu.memref_slice %arg5[%dma_wait3A_214, %dma_wait3A_215] : memref<16384x1024xf32, #tpu.memory_space<hbm>> -> memref<16x1024xf32, #tpu.memory_space<hbm>>
        %dma_wait3A_217 = arith.constant 0 : i32
        %dma_wait3A_218 = arith.constant 0 : i32
        %dma_wait3A_219 = tpu.memref_slice %arg5[%dma_wait3A_217, %dma_wait3A_218] : memref<16384x1024xf32, #tpu.memory_space<hbm>> -> memref<16x1024xf32, #tpu.memory_space<hbm>>
        tpu.wait_dma2 semaphore(%arg22 : memref<!tpu.dma_semaphore, #tpu.memory_space<semaphore_mem>>) src(%arg9 : memref<16x1024xf32, #tpu.memory_space<vmem>>) dst(%dma_wait3A_219 : memref<16x1024xf32, #tpu.memory_space<hbm>>)
      } else {
      }
      %add3A_130 = arith.constant 2 : i32
      %add3A_131 = arith.addi %add3A_112, %add3A_130 : i32
      %mul3A_132 = arith.constant 16 : i32
      %mul3A_133 = arith.muli %add3A_131, %mul3A_132 : i32
      %add3A_134 = arith.addi %mul3A_2, %mul3A_133 : i32
      %dma_start3A_135 = arith.constant 0 : i32
      %dma_start3A_136 = tpu.memref_slice %arg2[%add3A_134, %dma_start3A_135] : memref<16384x1024xf32, #tpu.memory_space<hbm>> -> memref<16x1024xf32, #tpu.memory_space<hbm>>
      %dma_start3A_137 = arith.constant 0 : i32
      %dma_start3A_138 = tpu.memref_slice %arg2[%add3A_134, %dma_start3A_137] : memref<16384x1024xf32, #tpu.memory_space<hbm>> -> memref<16x1024xf32, #tpu.memory_space<hbm>>
      tpu.enqueue_dma source(%dma_start3A_138 : memref<16x1024xf32, #tpu.memory_space<hbm>>) target(%arg9 : memref<16x1024xf32, #tpu.memory_space<vmem>>) target_semaphore(%arg18 : memref<!tpu.dma_semaphore, #tpu.memory_space<semaphore_mem>>)
      %mul3A_139 = arith.constant 2 : i32
      %mul3A_140 = arith.muli %mul3A_139, %add3A_131 : i32
      %mul3A_141 = arith.constant 16 : i32
      %mul3A_142 = arith.muli %mul3A_140, %mul3A_141 : i32
      %dma_start3A_143 = tpu.memref_slice %arg14[%mul3A_142] : memref<1024xi32, #tpu.memory_space<vmem>> -> memref<32xi32, #tpu.memory_space<vmem>>
      %dma_start3A_144 = arith.constant 0 : i32
      %dma_start3A_145 = arith.constant 0 : i32
      %dma_start3A_146 = tpu.memref_slice %arg4[%dma_start3A_144, %dma_start3A_145] : memref<4097x256xi32, #tpu.memory_space<hbm>> -> memref<4097x256xi32, #tpu.memory_space<hbm>>
      tpu.enqueue_indirect_dma source(%dma_start3A_146 : memref<4097x256xi32, #tpu.memory_space<hbm>>) target(%arg13 : memref<32x256xi32, #tpu.memory_space<vmem>>) offsets(%dma_start3A_143 : memref<32xi32, #tpu.memory_space<vmem>>) semaphore(%arg26 : memref<!tpu.dma_semaphore, #tpu.memory_space<semaphore_mem>>)
      %parallel_loop3A_147 = arith.constant 0 : i32
      %parallel_loop3A_148 = arith.constant 512 : i32
      %parallel_loop3A_149 = arith.constant 1 : i32
      scf.for %parallel_loop3A_214 = %parallel_loop3A_147 to %parallel_loop3A_148 step %parallel_loop3A_149  : i32 {
        %parallel_loop3A_215 = arith.constant 4 : i32
        %parallel_loop3A_216 = arith.shrui %parallel_loop3A_214, %parallel_loop3A_215 : i32
        %parallel_loop3A_217 = arith.constant 15 : i32
        %parallel_loop3A_218 = arith.andi %parallel_loop3A_216, %parallel_loop3A_217 : i32
        %parallel_loop3A_219 = arith.constant 16 : i32
        %parallel_loop3A_220 = arith.andi %parallel_loop3A_216, %parallel_loop3A_219 : i32
        %parallel_loop3A_221 = arith.constant 5 : i32
        %parallel_loop3A_222 = arith.shli %parallel_loop3A_220, %parallel_loop3A_221 : i32
        %parallel_loop3A_223 = arith.constant 15 : i32
        %parallel_loop3A_224 = arith.andi %parallel_loop3A_214, %parallel_loop3A_223 : i32
        %parallel_loop3A_225 = arith.constant 4 : i32
        %parallel_loop3A_226 = arith.shli %parallel_loop3A_224, %parallel_loop3A_225 : i32
        %parallel_loop3A_227 = tpu.assume_multiple %parallel_loop3A_226, 16 : i32
        %parallel_loop3A_228 = arith.index_cast %parallel_loop3A_216 : i32 to index
        %parallel_loop3A_229 = arith.index_cast %parallel_loop3A_227 : i32 to index
        %parallel_loop3A_230 = tpu.vector_load %arg11[%parallel_loop3A_228, %parallel_loop3A_229] {strides = array<i32>} : memref<32x256xi32, #tpu.memory_space<vmem>>, vector<1x16xi32>,
        %parallel_loop3A_231 = vector.shape_cast %parallel_loop3A_230 : vector<1x16xi32> to vector<16xi32>
        %parallel_loop3A_232 = arith.constant 16 : i32
        %parallel_loop3A_233 = vector.broadcast %parallel_loop3A_232 : i32 to vector<16xi32>
        %parallel_loop3A_234 = arith.shli %parallel_loop3A_231, %parallel_loop3A_233 : vector<16xi32>
        %parallel_loop3A_235 = tpu.bitcast %parallel_loop3A_234 : vector<16xi32> -> vector<16xf32>
        %parallel_loop3A_236 = arith.constant -65536 : i32
        %parallel_loop3A_237 = vector.broadcast %parallel_loop3A_236 : i32 to vector<16xi32>
        %parallel_loop3A_238 = arith.andi %parallel_loop3A_231, %parallel_loop3A_237 : vector<16xi32>
        %parallel_loop3A_239 = tpu.bitcast %parallel_loop3A_238 : vector<16xi32> -> vector<16xf32>
        %parallel_loop3A_240 = arith.constant 2 : i32
        %parallel_loop3A_241 = arith.muli %parallel_loop3A_240, %parallel_loop3A_226 : i32
        %parallel_loop3A_242 = arith.addi %parallel_loop3A_222, %parallel_loop3A_241 : i32
        %parallel_loop3A_243 = tpu.assume_multiple %parallel_loop3A_242, 16 : i32
        %parallel_loop3A_244 = arith.index_cast %parallel_loop3A_218 : i32 to index
        %parallel_loop3A_245 = arith.index_cast %parallel_loop3A_243 : i32 to index
        %parallel_loop3A_246 = tpu.vector_load %arg7[%parallel_loop3A_244, %parallel_loop3A_245] {strides = array<i32>} : memref<16x1024xf32, #tpu.memory_space<vmem>>, vector<1x16xf32>,
        %parallel_loop3A_247 = vector.shape_cast %parallel_loop3A_246 : vector<1x16xf32> to vector<16xf32>
        %parallel_loop3A_248 = vector.shape_cast %parallel_loop3A_235 : vector<16xf32> to vector<1x16xf32>
        tpu.vector_store %arg7[%parallel_loop3A_244, %parallel_loop3A_245], %parallel_loop3A_248 {add = true, strides = array<i32>} : memref<16x1024xf32, #tpu.memory_space<vmem>>, vector<1x16xf32>,
        %parallel_loop3A_249 = arith.constant 16 : i32
        %parallel_loop3A_250 = arith.addi %parallel_loop3A_243, %parallel_loop3A_249 : i32
        %parallel_loop3A_251 = arith.index_cast %parallel_loop3A_218 : i32 to index
        %parallel_loop3A_252 = arith.index_cast %parallel_loop3A_250 : i32 to index
        %parallel_loop3A_253 = tpu.vector_load %arg7[%parallel_loop3A_251, %parallel_loop3A_252] {strides = array<i32>} : memref<16x1024xf32, #tpu.memory_space<vmem>>, vector<1x16xf32>,
        %parallel_loop3A_254 = vector.shape_cast %parallel_loop3A_253 : vector<1x16xf32> to vector<16xf32>
        %parallel_loop3A_255 = vector.shape_cast %parallel_loop3A_239 : vector<16xf32> to vector<1x16xf32>
        tpu.vector_store %arg7[%parallel_loop3A_251, %parallel_loop3A_252], %parallel_loop3A_255 {add = true, strides = array<i32>} : memref<16x1024xf32, #tpu.memory_space<vmem>>, vector<1x16xf32>,
      } {sc.loop_unroll_factor = 8 : i64, sc.parallel_access}
      %mul3A_150 = arith.constant 16 : i32
      %mul3A_151 = arith.muli %add3A_112, %mul3A_150 : i32
      %add3A_152 = arith.addi %mul3A_2, %mul3A_151 : i32
      %dma_start3A_153 = arith.constant 0 : i32
      %dma_start3A_154 = tpu.memref_slice %arg5[%add3A_152, %dma_start3A_153] : memref<16384x1024xf32, #tpu.memory_space<hbm>> -> memref<16x1024xf32, #tpu.memory_space<hbm>>
      %dma_start3A_155 = arith.constant 0 : i32
      %dma_start3A_156 = tpu.memref_slice %arg5[%add3A_152, %dma_start3A_155] : memref<16384x1024xf32, #tpu.memory_space<hbm>> -> memref<16x1024xf32, #tpu.memory_space<hbm>>
      tpu.enqueue_dma source(%arg7 : memref<16x1024xf32, #tpu.memory_space<vmem>>) target(%dma_start3A_156 : memref<16x1024xf32, #tpu.memory_space<hbm>>) target_semaphore(%arg20 : memref<!tpu.dma_semaphore, #tpu.memory_space<semaphore_mem>>)
      %add3A_157 = arith.constant 2 : i32
      %add3A_158 = arith.addi %mul3A_68, %add3A_157 : i32
      %dma_wait3A_159 = arith.constant 0 : i32
      %dma_wait3A_160 = arith.constant 0 : i32
      %dma_wait3A_161 = tpu.memref_slice %arg2[%dma_wait3A_159, %dma_wait3A_160] : memref<16384x1024xf32, #tpu.memory_space<hbm>> -> memref<16x1024xf32, #tpu.memory_space<hbm>>
      %dma_wait3A_162 = arith.constant 0 : i32
      %dma_wait3A_163 = arith.constant 0 : i32
      %dma_wait3A_164 = tpu.memref_slice %arg2[%dma_wait3A_162, %dma_wait3A_163] : memref<16384x1024xf32, #tpu.memory_space<hbm>> -> memref<16x1024xf32, #tpu.memory_space<hbm>>
      tpu.wait_dma2 semaphore(%arg17 : memref<!tpu.dma_semaphore, #tpu.memory_space<semaphore_mem>>) src(%dma_wait3A_164 : memref<16x1024xf32, #tpu.memory_space<hbm>>) dst(%arg8 : memref<16x1024xf32, #tpu.memory_space<vmem>>)
      %dma_wait3A_165 = arith.constant 0 : i32
      %dma_wait3A_166 = arith.constant 0 : i32
      %dma_wait3A_167 = tpu.memref_slice %arg4[%dma_wait3A_165, %dma_wait3A_166] : memref<4097x256xi32, #tpu.memory_space<hbm>> -> memref<32x256xi32, #tpu.memory_space<hbm>>
      %dma_wait3A_168 = arith.constant 0 : i32
      %dma_wait3A_169 = arith.constant 0 : i32
      %dma_wait3A_170 = tpu.memref_slice %arg4[%dma_wait3A_168, %dma_wait3A_169] : memref<4097x256xi32, #tpu.memory_space<hbm>> -> memref<32x256xi32, #tpu.memory_space<hbm>>
      tpu.wait_dma2 semaphore(%arg25 : memref<!tpu.dma_semaphore, #tpu.memory_space<semaphore_mem>>) src(%dma_wait3A_170 : memref<32x256xi32, #tpu.memory_space<hbm>>) dst(%arg12 : memref<32x256xi32, #tpu.memory_space<vmem>>)
      %lt3A = arith.constant 7 : i32
      %lt3A_171 = arith.cmpi slt, %scan3A_66, %lt3A : i32
      %convert_element_type3A_172 = arith.extui %lt3A_171 : i1 to i32
      %cond3A_173 = arith.constant 0 : i32
      %cond3A_174 = arith.cmpi ne, %convert_element_type3A_172, %cond3A_173 : i32
      scf.if %cond3A_174 {
        %dma_wait3A_214 = arith.constant 0 : i32
        %dma_wait3A_215 = arith.constant 0 : i32
        %dma_wait3A_216 = tpu.memref_slice %arg5[%dma_wait3A_214, %dma_wait3A_215] : memref<16384x1024xf32, #tpu.memory_space<hbm>> -> memref<16x1024xf32, #tpu.memory_space<hbm>>
        %dma_wait3A_217 = arith.constant 0 : i32
        %dma_wait3A_218 = arith.constant 0 : i32
        %dma_wait3A_219 = tpu.memref_slice %arg5[%dma_wait3A_217, %dma_wait3A_218] : memref<16384x1024xf32, #tpu.memory_space<hbm>> -> memref<16x1024xf32, #tpu.memory_space<hbm>>
        tpu.wait_dma2 semaphore(%arg19 : memref<!tpu.dma_semaphore, #tpu.memory_space<semaphore_mem>>) src(%arg6 : memref<16x1024xf32, #tpu.memory_space<vmem>>) dst(%dma_wait3A_219 : memref<16x1024xf32, #tpu.memory_space<hbm>>)
        %add3A_220 = arith.constant 2 : i32
        %add3A_221 = arith.addi %add3A_158, %add3A_220 : i32
        %mul3A_222 = arith.constant 16 : i32
        %mul3A_223 = arith.muli %add3A_221, %mul3A_222 : i32
        %add3A_224 = arith.addi %mul3A_2, %mul3A_223 : i32
        %dma_start3A_225 = arith.constant 0 : i32
        %dma_start3A_226 = tpu.memref_slice %arg2[%add3A_224, %dma_start3A_225] : memref<16384x1024xf32, #tpu.memory_space<hbm>> -> memref<16x1024xf32, #tpu.memory_space<hbm>>
        %dma_start3A_227 = arith.constant 0 : i32
        %dma_start3A_228 = tpu.memref_slice %arg2[%add3A_224, %dma_start3A_227] : memref<16384x1024xf32, #tpu.memory_space<hbm>> -> memref<16x1024xf32, #tpu.memory_space<hbm>>
        tpu.enqueue_dma source(%dma_start3A_228 : memref<16x1024xf32, #tpu.memory_space<hbm>>) target(%arg6 : memref<16x1024xf32, #tpu.memory_space<vmem>>) target_semaphore(%arg15 : memref<!tpu.dma_semaphore, #tpu.memory_space<semaphore_mem>>)
        %mul3A_229 = arith.constant 2 : i32
        %mul3A_230 = arith.muli %mul3A_229, %add3A_221 : i32
        %mul3A_231 = arith.constant 16 : i32
        %mul3A_232 = arith.muli %mul3A_230, %mul3A_231 : i32
        %dma_start3A_233 = tpu.memref_slice %arg14[%mul3A_232] : memref<1024xi32, #tpu.memory_space<vmem>> -> memref<32xi32, #tpu.memory_space<vmem>>
        %dma_start3A_234 = arith.constant 0 : i32
        %dma_start3A_235 = arith.constant 0 : i32
        %dma_start3A_236 = tpu.memref_slice %arg4[%dma_start3A_234, %dma_start3A_235] : memref<4097x256xi32, #tpu.memory_space<hbm>> -> memref<4097x256xi32, #tpu.memory_space<hbm>>
        tpu.enqueue_indirect_dma source(%dma_start3A_236 : memref<4097x256xi32, #tpu.memory_space<hbm>>) target(%arg10 : memref<32x256xi32, #tpu.memory_space<vmem>>) offsets(%dma_start3A_233 : memref<32xi32, #tpu.memory_space<vmem>>) semaphore(%arg23 : memref<!tpu.dma_semaphore, #tpu.memory_space<semaphore_mem>>)
      } else {
      }
      %parallel_loop3A_175 = arith.constant 0 : i32
      %parallel_loop3A_176 = arith.constant 512 : i32
      %parallel_loop3A_177 = arith.constant 1 : i32
      scf.for %parallel_loop3A_214 = %parallel_loop3A_175 to %parallel_loop3A_176 step %parallel_loop3A_177  : i32 {
        %parallel_loop3A_215 = arith.constant 4 : i32
        %parallel_loop3A_216 = arith.shrui %parallel_loop3A_214, %parallel_loop3A_215 : i32
        %parallel_loop3A_217 = arith.constant 15 : i32
        %parallel_loop3A_218 = arith.andi %parallel_loop3A_216, %parallel_loop3A_217 : i32
        %parallel_loop3A_219 = arith.constant 16 : i32
        %parallel_loop3A_220 = arith.andi %parallel_loop3A_216, %parallel_loop3A_219 : i32
        %parallel_loop3A_221 = arith.constant 5 : i32
        %parallel_loop3A_222 = arith.shli %parallel_loop3A_220, %parallel_loop3A_221 : i32
        %parallel_loop3A_223 = arith.constant 15 : i32
        %parallel_loop3A_224 = arith.andi %parallel_loop3A_214, %parallel_loop3A_223 : i32
        %parallel_loop3A_225 = arith.constant 4 : i32
        %parallel_loop3A_226 = arith.shli %parallel_loop3A_224, %parallel_loop3A_225 : i32
        %parallel_loop3A_227 = tpu.assume_multiple %parallel_loop3A_226, 16 : i32
        %parallel_loop3A_228 = arith.index_cast %parallel_loop3A_216 : i32 to index
        %parallel_loop3A_229 = arith.index_cast %parallel_loop3A_227 : i32 to index
        %parallel_loop3A_230 = tpu.vector_load %arg12[%parallel_loop3A_228, %parallel_loop3A_229] {strides = array<i32>} : memref<32x256xi32, #tpu.memory_space<vmem>>, vector<1x16xi32>,
        %parallel_loop3A_231 = vector.shape_cast %parallel_loop3A_230 : vector<1x16xi32> to vector<16xi32>
        %parallel_loop3A_232 = arith.constant 16 : i32
        %parallel_loop3A_233 = vector.broadcast %parallel_loop3A_232 : i32 to vector<16xi32>
        %parallel_loop3A_234 = arith.shli %parallel_loop3A_231, %parallel_loop3A_233 : vector<16xi32>
        %parallel_loop3A_235 = tpu.bitcast %parallel_loop3A_234 : vector<16xi32> -> vector<16xf32>
        %parallel_loop3A_236 = arith.constant -65536 : i32
        %parallel_loop3A_237 = vector.broadcast %parallel_loop3A_236 : i32 to vector<16xi32>
        %parallel_loop3A_238 = arith.andi %parallel_loop3A_231, %parallel_loop3A_237 : vector<16xi32>
        %parallel_loop3A_239 = tpu.bitcast %parallel_loop3A_238 : vector<16xi32> -> vector<16xf32>
        %parallel_loop3A_240 = arith.constant 2 : i32
        %parallel_loop3A_241 = arith.muli %parallel_loop3A_240, %parallel_loop3A_226 : i32
        %parallel_loop3A_242 = arith.addi %parallel_loop3A_222, %parallel_loop3A_241 : i32
        %parallel_loop3A_243 = tpu.assume_multiple %parallel_loop3A_242, 16 : i32
        %parallel_loop3A_244 = arith.index_cast %parallel_loop3A_218 : i32 to index
        %parallel_loop3A_245 = arith.index_cast %parallel_loop3A_243 : i32 to index
        %parallel_loop3A_246 = tpu.vector_load %arg8[%parallel_loop3A_244, %parallel_loop3A_245] {strides = array<i32>} : memref<16x1024xf32, #tpu.memory_space<vmem>>, vector<1x16xf32>,
        %parallel_loop3A_247 = vector.shape_cast %parallel_loop3A_246 : vector<1x16xf32> to vector<16xf32>
        %parallel_loop3A_248 = vector.shape_cast %parallel_loop3A_235 : vector<16xf32> to vector<1x16xf32>
        tpu.vector_store %arg8[%parallel_loop3A_244, %parallel_loop3A_245], %parallel_loop3A_248 {add = true, strides = array<i32>} : memref<16x1024xf32, #tpu.memory_space<vmem>>, vector<1x16xf32>,
        %parallel_loop3A_249 = arith.constant 16 : i32
        %parallel_loop3A_250 = arith.addi %parallel_loop3A_243, %parallel_loop3A_249 : i32
        %parallel_loop3A_251 = arith.index_cast %parallel_loop3A_218 : i32 to index
        %parallel_loop3A_252 = arith.index_cast %parallel_loop3A_250 : i32 to index
        %parallel_loop3A_253 = tpu.vector_load %arg8[%parallel_loop3A_251, %parallel_loop3A_252] {strides = array<i32>} : memref<16x1024xf32, #tpu.memory_space<vmem>>, vector<1x16xf32>,
        %parallel_loop3A_254 = vector.shape_cast %parallel_loop3A_253 : vector<1x16xf32> to vector<16xf32>
        %parallel_loop3A_255 = vector.shape_cast %parallel_loop3A_239 : vector<16xf32> to vector<1x16xf32>
        tpu.vector_store %arg8[%parallel_loop3A_251, %parallel_loop3A_252], %parallel_loop3A_255 {add = true, strides = array<i32>} : memref<16x1024xf32, #tpu.memory_space<vmem>>, vector<1x16xf32>,
      } {sc.loop_unroll_factor = 8 : i64, sc.parallel_access}
      %mul3A_178 = arith.constant 16 : i32
      %mul3A_179 = arith.muli %add3A_158, %mul3A_178 : i32
      %add3A_180 = arith.addi %mul3A_2, %mul3A_179 : i32
      %dma_start3A_181 = arith.constant 0 : i32
      %dma_start3A_182 = tpu.memref_slice %arg5[%add3A_180, %dma_start3A_181] : memref<16384x1024xf32, #tpu.memory_space<hbm>> -> memref<16x1024xf32, #tpu.memory_space<hbm>>
      %dma_start3A_183 = arith.constant 0 : i32
      %dma_start3A_184 = tpu.memref_slice %arg5[%add3A_180, %dma_start3A_183] : memref<16384x1024xf32, #tpu.memory_space<hbm>> -> memref<16x1024xf32, #tpu.memory_space<hbm>>
      tpu.enqueue_dma source(%arg8 : memref<16x1024xf32, #tpu.memory_space<vmem>>) target(%dma_start3A_184 : memref<16x1024xf32, #tpu.memory_space<hbm>>) target_semaphore(%arg21 : memref<!tpu.dma_semaphore, #tpu.memory_space<semaphore_mem>>)
      %add3A_185 = arith.constant 3 : i32
      %add3A_186 = arith.addi %mul3A_68, %add3A_185 : i32
      %dma_wait3A_187 = arith.constant 0 : i32
      %dma_wait3A_188 = arith.constant 0 : i32
      %dma_wait3A_189 = tpu.memref_slice %arg2[%dma_wait3A_187, %dma_wait3A_188] : memref<16384x1024xf32, #tpu.memory_space<hbm>> -> memref<16x1024xf32, #tpu.memory_space<hbm>>
      %dma_wait3A_190 = arith.constant 0 : i32
      %dma_wait3A_191 = arith.constant 0 : i32
      %dma_wait3A_192 = tpu.memref_slice %arg2[%dma_wait3A_190, %dma_wait3A_191] : memref<16384x1024xf32, #tpu.memory_space<hbm>> -> memref<16x1024xf32, #tpu.memory_space<hbm>>
      tpu.wait_dma2 semaphore(%arg18 : memref<!tpu.dma_semaphore, #tpu.memory_space<semaphore_mem>>) src(%dma_wait3A_192 : memref<16x1024xf32, #tpu.memory_space<hbm>>) dst(%arg9 : memref<16x1024xf32, #tpu.memory_space<vmem>>)
      %dma_wait3A_193 = arith.constant 0 : i32
      %dma_wait3A_194 = arith.constant 0 : i32
      %dma_wait3A_195 = tpu.memref_slice %arg4[%dma_wait3A_193, %dma_wait3A_194] : memref<4097x256xi32, #tpu.memory_space<hbm>> -> memref<32x256xi32, #tpu.memory_space<hbm>>
      %dma_wait3A_196 = arith.constant 0 : i32
      %dma_wait3A_197 = arith.constant 0 : i32
      %dma_wait3A_198 = tpu.memref_slice %arg4[%dma_wait3A_196, %dma_wait3A_197] : memref<4097x256xi32, #tpu.memory_space<hbm>> -> memref<32x256xi32, #tpu.memory_space<hbm>>
      tpu.wait_dma2 semaphore(%arg26 : memref<!tpu.dma_semaphore, #tpu.memory_space<semaphore_mem>>) src(%dma_wait3A_198 : memref<32x256xi32, #tpu.memory_space<hbm>>) dst(%arg13 : memref<32x256xi32, #tpu.memory_space<vmem>>)
      %lt3A_199 = arith.constant 7 : i32
      %lt3A_200 = arith.cmpi slt, %scan3A_66, %lt3A_199 : i32
      %convert_element_type3A_201 = arith.extui %lt3A_200 : i1 to i32
      %cond3A_202 = arith.constant 0 : i32
      %cond3A_203 = arith.cmpi ne, %convert_element_type3A_201, %cond3A_202 : i32
      scf.if %cond3A_203 {
        %dma_wait3A_214 = arith.constant 0 : i32
        %dma_wait3A_215 = arith.constant 0 : i32
        %dma_wait3A_216 = tpu.memref_slice %arg5[%dma_wait3A_214, %dma_wait3A_215] : memref<16384x1024xf32, #tpu.memory_space<hbm>> -> memref<16x1024xf32, #tpu.memory_space<hbm>>
        %dma_wait3A_217 = arith.constant 0 : i32
        %dma_wait3A_218 = arith.constant 0 : i32
        %dma_wait3A_219 = tpu.memref_slice %arg5[%dma_wait3A_217, %dma_wait3A_218] : memref<16384x1024xf32, #tpu.memory_space<hbm>> -> memref<16x1024xf32, #tpu.memory_space<hbm>>
        tpu.wait_dma2 semaphore(%arg20 : memref<!tpu.dma_semaphore, #tpu.memory_space<semaphore_mem>>) src(%arg7 : memref<16x1024xf32, #tpu.memory_space<vmem>>) dst(%dma_wait3A_219 : memref<16x1024xf32, #tpu.memory_space<hbm>>)
        %add3A_220 = arith.constant 2 : i32
        %add3A_221 = arith.addi %add3A_186, %add3A_220 : i32
        %mul3A_222 = arith.constant 16 : i32
        %mul3A_223 = arith.muli %add3A_221, %mul3A_222 : i32
        %add3A_224 = arith.addi %mul3A_2, %mul3A_223 : i32
        %dma_start3A_225 = arith.constant 0 : i32
        %dma_start3A_226 = tpu.memref_slice %arg2[%add3A_224, %dma_start3A_225] : memref<16384x1024xf32, #tpu.memory_space<hbm>> -> memref<16x1024xf32, #tpu.memory_space<hbm>>
        %dma_start3A_227 = arith.constant 0 : i32
        %dma_start3A_228 = tpu.memref_slice %arg2[%add3A_224, %dma_start3A_227] : memref<16384x1024xf32, #tpu.memory_space<hbm>> -> memref<16x1024xf32, #tpu.memory_space<hbm>>
        tpu.enqueue_dma source(%dma_start3A_228 : memref<16x1024xf32, #tpu.memory_space<hbm>>) target(%arg7 : memref<16x1024xf32, #tpu.memory_space<vmem>>) target_semaphore(%arg16 : memref<!tpu.dma_semaphore, #tpu.memory_space<semaphore_mem>>)
        %mul3A_229 = arith.constant 2 : i32
        %mul3A_230 = arith.muli %mul3A_229, %add3A_221 : i32
        %mul3A_231 = arith.constant 16 : i32
        %mul3A_232 = arith.muli %mul3A_230, %mul3A_231 : i32
        %dma_start3A_233 = tpu.memref_slice %arg14[%mul3A_232] : memref<1024xi32, #tpu.memory_space<vmem>> -> memref<32xi32, #tpu.memory_space<vmem>>
        %dma_start3A_234 = arith.constant 0 : i32
        %dma_start3A_235 = arith.constant 0 : i32
        %dma_start3A_236 = tpu.memref_slice %arg4[%dma_start3A_234, %dma_start3A_235] : memref<4097x256xi32, #tpu.memory_space<hbm>> -> memref<4097x256xi32, #tpu.memory_space<hbm>>
        tpu.enqueue_indirect_dma source(%dma_start3A_236 : memref<4097x256xi32, #tpu.memory_space<hbm>>) target(%arg11 : memref<32x256xi32, #tpu.memory_space<vmem>>) offsets(%dma_start3A_233 : memref<32xi32, #tpu.memory_space<vmem>>) semaphore(%arg24 : memref<!tpu.dma_semaphore, #tpu.memory_space<semaphore_mem>>)
      } else {
      }
      %parallel_loop3A_204 = arith.constant 0 : i32
      %parallel_loop3A_205 = arith.constant 512 : i32
      %parallel_loop3A_206 = arith.constant 1 : i32
      scf.for %parallel_loop3A_214 = %parallel_loop3A_204 to %parallel_loop3A_205 step %parallel_loop3A_206  : i32 {
        %parallel_loop3A_215 = arith.constant 4 : i32
        %parallel_loop3A_216 = arith.shrui %parallel_loop3A_214, %parallel_loop3A_215 : i32
        %parallel_loop3A_217 = arith.constant 15 : i32
        %parallel_loop3A_218 = arith.andi %parallel_loop3A_216, %parallel_loop3A_217 : i32
        %parallel_loop3A_219 = arith.constant 16 : i32
        %parallel_loop3A_220 = arith.andi %parallel_loop3A_216, %parallel_loop3A_219 : i32
        %parallel_loop3A_221 = arith.constant 5 : i32
        %parallel_loop3A_222 = arith.shli %parallel_loop3A_220, %parallel_loop3A_221 : i32
        %parallel_loop3A_223 = arith.constant 15 : i32
        %parallel_loop3A_224 = arith.andi %parallel_loop3A_214, %parallel_loop3A_223 : i32
        %parallel_loop3A_225 = arith.constant 4 : i32
        %parallel_loop3A_226 = arith.shli %parallel_loop3A_224, %parallel_loop3A_225 : i32
        %parallel_loop3A_227 = tpu.assume_multiple %parallel_loop3A_226, 16 : i32
        %parallel_loop3A_228 = arith.index_cast %parallel_loop3A_216 : i32 to index
        %parallel_loop3A_229 = arith.index_cast %parallel_loop3A_227 : i32 to index
        %parallel_loop3A_230 = tpu.vector_load %arg13[%parallel_loop3A_228, %parallel_loop3A_229] {strides = array<i32>} : memref<32x256xi32, #tpu.memory_space<vmem>>, vector<1x16xi32>,
        %parallel_loop3A_231 = vector.shape_cast %parallel_loop3A_230 : vector<1x16xi32> to vector<16xi32>
        %parallel_loop3A_232 = arith.constant 16 : i32
        %parallel_loop3A_233 = vector.broadcast %parallel_loop3A_232 : i32 to vector<16xi32>
        %parallel_loop3A_234 = arith.shli %parallel_loop3A_231, %parallel_loop3A_233 : vector<16xi32>
        %parallel_loop3A_235 = tpu.bitcast %parallel_loop3A_234 : vector<16xi32> -> vector<16xf32>
        %parallel_loop3A_236 = arith.constant -65536 : i32
        %parallel_loop3A_237 = vector.broadcast %parallel_loop3A_236 : i32 to vector<16xi32>
        %parallel_loop3A_238 = arith.andi %parallel_loop3A_231, %parallel_loop3A_237 : vector<16xi32>
        %parallel_loop3A_239 = tpu.bitcast %parallel_loop3A_238 : vector<16xi32> -> vector<16xf32>
        %parallel_loop3A_240 = arith.constant 2 : i32
        %parallel_loop3A_241 = arith.muli %parallel_loop3A_240, %parallel_loop3A_226 : i32
        %parallel_loop3A_242 = arith.addi %parallel_loop3A_222, %parallel_loop3A_241 : i32
        %parallel_loop3A_243 = tpu.assume_multiple %parallel_loop3A_242, 16 : i32
        %parallel_loop3A_244 = arith.index_cast %parallel_loop3A_218 : i32 to index
        %parallel_loop3A_245 = arith.index_cast %parallel_loop3A_243 : i32 to index
        %parallel_loop3A_246 = tpu.vector_load %arg9[%parallel_loop3A_244, %parallel_loop3A_245] {strides = array<i32>} : memref<16x1024xf32, #tpu.memory_space<vmem>>, vector<1x16xf32>,
        %parallel_loop3A_247 = vector.shape_cast %parallel_loop3A_246 : vector<1x16xf32> to vector<16xf32>
        %parallel_loop3A_248 = vector.shape_cast %parallel_loop3A_235 : vector<16xf32> to vector<1x16xf32>
        tpu.vector_store %arg9[%parallel_loop3A_244, %parallel_loop3A_245], %parallel_loop3A_248 {add = true, strides = array<i32>} : memref<16x1024xf32, #tpu.memory_space<vmem>>, vector<1x16xf32>,
        %parallel_loop3A_249 = arith.constant 16 : i32
        %parallel_loop3A_250 = arith.addi %parallel_loop3A_243, %parallel_loop3A_249 : i32
        %parallel_loop3A_251 = arith.index_cast %parallel_loop3A_218 : i32 to index
        %parallel_loop3A_252 = arith.index_cast %parallel_loop3A_250 : i32 to index
        %parallel_loop3A_253 = tpu.vector_load %arg9[%parallel_loop3A_251, %parallel_loop3A_252] {strides = array<i32>} : memref<16x1024xf32, #tpu.memory_space<vmem>>, vector<1x16xf32>,
        %parallel_loop3A_254 = vector.shape_cast %parallel_loop3A_253 : vector<1x16xf32> to vector<16xf32>
        %parallel_loop3A_255 = vector.shape_cast %parallel_loop3A_239 : vector<16xf32> to vector<1x16xf32>
        tpu.vector_store %arg9[%parallel_loop3A_251, %parallel_loop3A_252], %parallel_loop3A_255 {add = true, strides = array<i32>} : memref<16x1024xf32, #tpu.memory_space<vmem>>, vector<1x16xf32>,
      } {sc.loop_unroll_factor = 8 : i64, sc.parallel_access}
      %mul3A_207 = arith.constant 16 : i32
      %mul3A_208 = arith.muli %add3A_186, %mul3A_207 : i32
      %add3A_209 = arith.addi %mul3A_2, %mul3A_208 : i32
      %dma_start3A_210 = arith.constant 0 : i32
      %dma_start3A_211 = tpu.memref_slice %arg5[%add3A_209, %dma_start3A_210] : memref<16384x1024xf32, #tpu.memory_space<hbm>> -> memref<16x1024xf32, #tpu.memory_space<hbm>>
      %dma_start3A_212 = arith.constant 0 : i32
      %dma_start3A_213 = tpu.memref_slice %arg5[%add3A_209, %dma_start3A_212] : memref<16384x1024xf32, #tpu.memory_space<hbm>> -> memref<16x1024xf32, #tpu.memory_space<hbm>>
      tpu.enqueue_dma source(%arg9 : memref<16x1024xf32, #tpu.memory_space<vmem>>) target(%dma_start3A_213 : memref<16x1024xf32, #tpu.memory_space<hbm>>) target_semaphore(%arg22 : memref<!tpu.dma_semaphore, #tpu.memory_space<semaphore_mem>>)
    }
    %scan3A_42 = arith.constant 8 : i32
    %dma_wait3A = arith.constant 0 : i32
    %dma_wait3A_43 = arith.constant 0 : i32
    %dma_wait3A_44 = tpu.memref_slice %arg5[%dma_wait3A, %dma_wait3A_43] : memref<16384x1024xf32, #tpu.memory_space<hbm>> -> memref<16x1024xf32, #tpu.memory_space<hbm>>
    %dma_wait3A_45 = arith.constant 0 : i32
    %dma_wait3A_46 = arith.constant 0 : i32
    %dma_wait3A_47 = tpu.memref_slice %arg5[%dma_wait3A_45, %dma_wait3A_46] : memref<16384x1024xf32, #tpu.memory_space<hbm>> -> memref<16x1024xf32, #tpu.memory_space<hbm>>
    tpu.wait_dma2 semaphore(%arg19 : memref<!tpu.dma_semaphore, #tpu.memory_space<semaphore_mem>>) src(%arg6 : memref<16x1024xf32, #tpu.memory_space<vmem>>) dst(%dma_wait3A_47 : memref<16x1024xf32, #tpu.memory_space<hbm>>)
    %dma_wait3A_48 = arith.constant 0 : i32
    %dma_wait3A_49 = arith.constant 0 : i32
    %dma_wait3A_50 = tpu.memref_slice %arg5[%dma_wait3A_48, %dma_wait3A_49] : memref<16384x1024xf32, #tpu.memory_space<hbm>> -> memref<16x1024xf32, #tpu.memory_space<hbm>>
    %dma_wait3A_51 = arith.constant 0 : i32
    %dma_wait3A_52 = arith.constant 0 : i32
    %dma_wait3A_53 = tpu.memref_slice %arg5[%dma_wait3A_51, %dma_wait3A_52] : memref<16384x1024xf32, #tpu.memory_space<hbm>> -> memref<16x1024xf32, #tpu.memory_space<hbm>>
    tpu.wait_dma2 semaphore(%arg20 : memref<!tpu.dma_semaphore, #tpu.memory_space<semaphore_mem>>) src(%arg7 : memref<16x1024xf32, #tpu.memory_space<vmem>>) dst(%dma_wait3A_53 : memref<16x1024xf32, #tpu.memory_space<hbm>>)
    %dma_wait3A_54 = arith.constant 0 : i32
    %dma_wait3A_55 = arith.constant 0 : i32
    %dma_wait3A_56 = tpu.memref_slice %arg5[%dma_wait3A_54, %dma_wait3A_55] : memref<16384x1024xf32, #tpu.memory_space<hbm>> -> memref<16x1024xf32, #tpu.memory_space<hbm>>
    %dma_wait3A_57 = arith.constant 0 : i32
    %dma_wait3A_58 = arith.constant 0 : i32
    %dma_wait3A_59 = tpu.memref_slice %arg5[%dma_wait3A_57, %dma_wait3A_58] : memref<16384x1024xf32, #tpu.memory_space<hbm>> -> memref<16x1024xf32, #tpu.memory_space<hbm>>
    tpu.wait_dma2 semaphore(%arg21 : memref<!tpu.dma_semaphore, #tpu.memory_space<semaphore_mem>>) src(%arg8 : memref<16x1024xf32, #tpu.memory_space<vmem>>) dst(%dma_wait3A_59 : memref<16x1024xf32, #tpu.memory_space<hbm>>)
    %dma_wait3A_60 = arith.constant 0 : i32
    %dma_wait3A_61 = arith.constant 0 : i32
    %dma_wait3A_62 = tpu.memref_slice %arg5[%dma_wait3A_60, %dma_wait3A_61] : memref<16384x1024xf32, #tpu.memory_space<hbm>> -> memref<16x1024xf32, #tpu.memory_space<hbm>>
    %dma_wait3A_63 = arith.constant 0 : i32
    %dma_wait3A_64 = arith.constant 0 : i32
    %dma_wait3A_65 = tpu.memref_slice %arg5[%dma_wait3A_63, %dma_wait3A_64] : memref<16384x1024xf32, #tpu.memory_space<hbm>> -> memref<16x1024xf32, #tpu.memory_space<hbm>>
    tpu.wait_dma2 semaphore(%arg22 : memref<!tpu.dma_semaphore, #tpu.memory_space<semaphore_mem>>) src(%arg9 : memref<16x1024xf32, #tpu.memory_space<vmem>>) dst(%dma_wait3A_65 : memref<16x1024xf32, #tpu.memory_space<hbm>>)
    return
  }
}

</mosaic_0001>

<sc_bundles>
// kernel: kernel.3.cloned.1.call-start
scs
__scs_entry_jumppad:
0x0: {  	(pc) =	sbr.rel $0x88, $3  }
0x1: {  	(tag) =	ssettag $0x0;
	lr =	simm.s32 $0x1  }
0x2: {  	[smem:$0x3F9F] =	sst lr;
	_ =	strace $0xD0000000  }
0x3: {  	_ = 	snop  }
0x4: {  	_ = 	snop  }
0x5: {  	_ = 	snop  }
0x6: {  	_ = 	snop  }
0x7: {  	_ = 	snop  }
__scs_overlays_trampoline_lowered:
0x8: {  	[smem:$0x3FAE] =	sst s0  }
0x9: {  	[smem:$0x3FAF] =	sst s1  }
0xa: {  	[smem:$0x3FB0] =	sst s2  }
0xb: {  	[smem:$0x3FB1] =	sst s3  }
0xc: {  	[smem:$0x3FB2] =	sst s4  }
0xd: {  	[smem:$0x3FB3] =	sst s5  }
0xe: {  	[smem:$0x3FB4] =	sst s6  }
0xf: {  	[smem:$0x3FB5] =	sst s7  }
0x10: {  	[smem:$0x3FB6] =	sst s8  }
0x11: {  	[smem:$0x3FB7] =	sst s9;
	s0 =	simm.s32 @!p0 $0x0  }
0x12: {  	s1 =	sld [smem:$0x3F9D];
	s0 =	simm.s32 @p0 $0x1  }
0x13: {  	[smem:$0x3FB8] =	sst s0;
	s0 =	simm.s32 @!p1 $0x0  }
0x14: {  	s2 =	sld [smem:$0x3F9C];
	s0 =	simm.s32 @p1 $0x1  }
0x15: {  	[smem:$0x3FB9] =	sst s0;
	s0 =	simm.s32 @!p2 $0x0  }
0x16: {  	s3 =	sld [smem:$0x3FDB];
	s0 =	simm.s32 @p2 $0x1  }
0x17: {  	s4 =	simm.s32 $0x1BF5;
	[smem:$0x3FBB] =	sst s0  }
0x18: {  	s0 =	sld [smem:$0x3F9E];
	_ =	swait.ge [sflag:s4], $0x0  }
0x19: {  	s7 =	sld [smem:$0x3F9F]  }
0x1a: {  	s8 =	sadd.s32 $0xFFFFE003, lr  }
0x1b: {  	s9 =	sadd.s32 $0xFFFFFEF7, lr;
	s5 =	simm.s32 $0xFFFFFFFF;
	p2 =	slt.u32 s8, $0xFFFFF086  }
0x1c: {  	p1 =	slt.u32 s9, $0xF7A;
	s5 =	simm.s32 @!p2 $0x0  }
0x1d: {  	s5 =	simm.s32 @p1 $0x1;
	p0 =	seq.s32 s7, s2  }
0x1e: {  	s7 =	smul.u32 @!p0 $0xF7A, s2;
	p2 =	seq.s32 @!p0 s5, $0x0  }
0x1f: {  	s9 =	smul.u32 $0xF7A, s1;
	s8 =	simm.s32 @!p0 $0x1BF5;
	p2 =	por !p2, p0  }
0x20: {  	[sflag:s8] =	ssyncset.s32 @!p0 $0xFFFFF086;
	s6 =	sadd.s32 @!p0 s3, s7;
	s7 =	simm.s32 @!p0 $0x108  }
0x21: {  	s3 =	sadd.s32 s3, s9;
	s6 =	sadd.s32 @!p0 $0x88, s6;
	s7 =	simm.s32 @p2 $0x1082  }
0x22: {  	[simem:s7], [sflag:s8] =	dma.local @!p0 [hbm:s6], $0xF7A  }
0x23: {  	s9 =	sor.u32 $0xD0000000, s2;
	s6 =	simm.s32 $0x108;
	_ =	swait.ge @!p0 [sflag:s8], $0x0  }
0x24: {  	s3 =	sadd.s32 $0x88, s3;
	s6 =	simm.s32 @!p1 $0x1082;
	[sflag:s4] =	ssyncset.s32 $0xFFFFF086  }
0x25: {  	[simem:s6], [sflag:s4] =	dma.local [hbm:s3], $0xF7A  }
0x26: {  	[smem:$0x3F9F] =	sst s1;
	(tag) =	ssettag s2;
	_ =	strace s9  }
0x27: {  	s1 =	sld [smem:$0x3FAF]  }
0x28: {  	s2 =	sld [smem:$0x3FB0]  }
0x29: {  	s4 =	sld [smem:$0x3FB2]  }
0x2a: {  	p0 =	seq.s32 s5, $0x0;
	s5 =	sld [smem:$0x3FB3]  }
0x2b: {  	s6 =	sld [smem:$0x3FB4]  }
0x2c: {  	s7 =	sld [smem:$0x3FB5]  }
0x2d: {  	s3 =	simm.s32 $0x108;
	s8 =	sld [smem:$0x3FB6]  }
0x2e: {  	s3 =	simm.s32 @!p0 $0x1082;
	s9 =	sld [smem:$0x3FB7]  }
0x2f: {  	lr =	sadd.s32 s0, s3;
	s0 =	sld [smem:$0x3FAE]  }
0x30: {  	s3 =	sld [smem:$0x3FB1]  }
0x31: {  	[smem:$0x3FBA] =	sst s10  }
0x32: {  	s10 =	sld [smem:$0x3FB8];
	_ =	sdelay $0x3  }
0x33: {  	p0 =	seq.s32 s10, $0x1;
	s10 =	sld [smem:$0x3FBA];
	_ =	sdelay $0x3  }
0x34: {  	[smem:$0x3FBA] =	sst s10  }
0x35: {  	s10 =	sld [smem:$0x3FB9];
	_ =	sdelay $0x3  }
0x36: {  	p1 =	seq.s32 s10, $0x1;
	s10 =	sld [smem:$0x3FBA];
	_ =	sdelay $0x3  }
0x37: {  	[smem:$0x3FBA] =	sst s10  }
0x38: {  	s10 =	sld [smem:$0x3FBB]  }
0x39: {  	_ = 	snop;
	(pc) =	sbr.ind lr, $3  }
0x3a: {  	_ = 	snop  }
0x3b: {  	_ = 	snop  }
0x3c: {  	p2 =	seq.s32 s10, $0x1;
	s10 =	sld [smem:$0x3FBA]  }
0x3d: {  	_ =	shalt  }
0x3e: {  	_ =	shalt  }
0x3f: {  	_ =	shalt  }
0x40: {  	_ =	shalt  }
0x41: {  	_ =	shalt  }
0x42: {  	_ =	shalt  }
0x43: {  	_ =	shalt  }
0x44: {  	_ =	shalt  }
0x45: {  	_ =	shalt  }
0x46: {  	_ =	shalt  }
0x47: {  	_ =	shalt  }
0x48: {  	_ =	shalt  }
0x49: {  	_ =	shalt  }
0x4a: {  	_ =	shalt  }
0x4b: {  	_ =	shalt  }
0x4c: {  	_ =	shalt  }
0x4d: {  	_ =	shalt  }
0x4e: {  	_ =	shalt  }
0x4f: {  	_ =	shalt  }
0x50: {  	_ =	shalt  }
0x51: {  	_ =	shalt  }
0x52: {  	_ =	shalt  }
0x53: {  	_ =	shalt  }
0x54: {  	_ =	shalt  }
0x55: {  	_ =	shalt  }
0x56: {  	_ =	shalt  }
0x57: {  	_ =	shalt  }
0x58: {  	_ =	shalt  }
0x59: {  	_ =	shalt  }
0x5a: {  	_ =	shalt  }
0x5b: {  	_ =	shalt  }
0x5c: {  	_ =	shalt  }
0x5d: {  	_ =	shalt  }
0x5e: {  	_ =	shalt  }
0x5f: {  	_ =	shalt  }
0x60: {  	_ =	shalt  }
0x61: {  	_ =	shalt  }
0x62: {  	_ =	shalt  }
0x63: {  	_ =	shalt  }
0x64: {  	_ =	shalt  }
0x65: {  	_ =	shalt  }
0x66: {  	_ =	shalt  }
0x67: {  	_ =	shalt  }
0x68: {  	_ =	shalt  }
0x69: {  	_ =	shalt  }
0x6a: {  	_ =	shalt  }
0x6b: {  	_ =	shalt  }
0x6c: {  	_ =	shalt  }
0x6d: {  	_ =	shalt  }
0x6e: {  	_ =	shalt  }
0x6f: {  	_ =	shalt  }
0x70: {  	_ =	shalt  }
0x71: {  	_ =	shalt  }
0x72: {  	_ =	shalt  }
0x73: {  	_ =	shalt  }
0x74: {  	_ =	shalt  }
0x75: {  	_ =	shalt  }
0x76: {  	_ =	shalt  }
0x77: {  	_ =	shalt  }
0x78: {  	_ =	shalt  }
0x79: {  	_ =	shalt  }
0x7a: {  	_ =	shalt  }
0x7b: {  	_ =	shalt  }
0x7c: {  	_ =	shalt  }
0x7d: {  	_ =	shalt  }
0x7e: {  	_ =	shalt  }
0x7f: {  	_ =	shalt  }
0x80: {  	_ =	shalt  }
0x81: {  	_ =	shalt  }
0x82: {  	_ =	shalt  }
0x83: {  	_ =	shalt  }
0x84: {  	_ =	shalt  }
0x85: {  	_ =	shalt  }
0x86: {  	_ =	shalt  }
0x87: {  	_ =	shalt  }
.Lfunc_end0:
.L_simem_size_0:
called_computation_lowered:
.L_overlay_start_0:
0x88: {  	s2 =	sld [smem:$0x3FD9]  }
0x89: {  	s3 =	sld [smem:$0x3FFE];
	_ =	sdelay $0x1  }
0x8a: {  	s1 =	srdreg.scid  }
0x8b: {  	s0 =	sand.u32 $0x1, s1  }
0x8c: {  	s17 =	sshll.u32 s0, $0xA;
	s2 =	sadd.s32 s3, s2  }
0x8d: {  	s2 =	sadd.s32 s2, s17  }
0x8e: {  	[smem:$0x3FC6] =	sst s2  }
0x8f: {  	_ = 	snop  }
0x90: {  	s2 =	sld [smem:$0x3FC9]  }
0x91: {  	s18 =	sld [smem:$0x3FD0];
	(tm) =	ssettm $0x1  }
0x92: {  	s4 =	sld [smem:$0x3FFB];
	_ =	sdelay $0x3  }
0x93: {  	_ =	strace s4  }
0x94: {  	s4 =	sld [smem:$0x3FFC];
	_ =	sdelay $0x3  }
0x95: {  	_ =	strace s4  }
0x96: {  	s4 =	sld [smem:$0x3FFD];
	_ =	sdelay $0x3  }
0x97: {  	_ =	strace s4  }
0x98: {  	_ =	strace $0x8FFFFFFF  }
0x99: {  	s19 =	sld [smem:$0x3FDB];
	_ =	sdelay $0x1  }
0x9a: {  	s5 =	simm.s32 $_scs_section_size  }
0x9b: {  	s6 =	simm.s32 $_size__tile_overlayer_lowered;
	s7 =	simm.s32 $_tile_overlayer_lowered  }
0x9c: {  	s22 =	simm.s32 $0x1BFF;
	s21 =	sshll.u32 s7, $0x1;
	s4 =	sadd.s32 s5, s19  }
0x9d: {  	s8 =	simm.s32 $0x0;
	s20 =	sshll.u32 s6, $0x1;
	s6 =	sadd.s32 s21, s4  }
0x9e: {  	[timem:s8], [sflag:s22] =	dma.local [hbm:s6], s20  }
0x9f: {  	_ =	swait.ge [sflag:s22], s20  }
0xa0: {  	s5 =	ssub.s32 $0x0, s20;
	[sflag:s22] =	ssyncset.done $0x0  }
0xa1: {  	[sflag:s22] =	ssyncadd.s32 s5;
	_ =	sdelay $0x1  }
0xa2: {  	s23 =	simm.s32 $0x1B8B  }
0xa3: {  	_ =	swait.ge [sflag:s23], $0x1  }
0xa4: {  	[sflag:s23] =	ssyncset.done $0x0  }
0xa5: {  	s25 =	simm.s32 $0x1B8E;
	s24 =	sld [smem:$0x3FFE];
	[sflag:s23] =	ssyncadd.s32 $0xFFFFFFFF  }
0xa6: {  	s26 =	simm.s32 $execute0_lowered;
	[smem:$0x3FD2] =	sst s25  }
0xa7: {  	s6 =	sshll.u32 s26, $0x1;
	_ =	strace $0x80000046;
	[dreg:$0x1] =	wrdreg $0xFFFFFFFF  }
0xa8: {  	s28 =	simm.s32 $_size_execute0_lowered;
	s4 =	sadd.s32 s4, s6;
	[dreg:$0x0] =	wrdreg $0x0  }
0xa9: {  	s6 =	sshll.u32 s28, $0x1;
	[dreg:$0x2] =	wrdreg s4  }
0xaa: {  	[dreg:$0x3] =	wrdreg s6  }
0xab: {  	[dreg:$0x4] =	wrdreg $0xC0  }
0xac: {  	_ =	task [dreg:s8], $0x5FFFF  }
0xad: {  	[dreg:$0x1] =	wrdreg $0xFFFFFFFF  }
0xae: {  	[dreg:$0x0] =	wrdreg $0x60  }
0xaf: {  	[dreg:$0x2] =	wrdreg s2  }
0xb0: {  	[dreg:$0x3] =	wrdreg s24  }
0xb1: {  	[dreg:$0x4] =	wrdreg s18  }
0xb2: {  	[dreg:$0x5] =	wrdreg $0x9  }
0xb3: {  	_ =	task.clear_ibuf [dreg:s8], $0x6FFFF;
	_ =	strace $0x90000046  }
0xb4: {  	s29 =	simm.s32 $0x9;
	_ =	strace $0x80000048  }
0xb5: {  	_ =	swait.ge [sflag:s29], $0x1  }
0xb6: {  	[sflag:s29] =	ssyncadd.s32 $0xFFFFFFFF  }
0xb7: {  	_ =	strace $0x90000048  }
0xb8: {  	_ =	sfence  }
0xb9: {  	s30 =	sld [smem:$0x0];
	_ =	sdelay $0x2  }
0xba: {  	s31 =	sshll.u32 s1, $0xD;
	s1 =	sshrl.u32 s1, $0x2  }
0xbb: {  	s3 =	sand.u32 $0x4000, s31;
	s1 =	sadd.s32 s1, s30  }
0xbc: {  	s0 =	sor.u32 s3, s0;
	s1 =	sshll.u32 s1, $0x11  }
0xbd: {  	s0 =	sor.u32 s1, s0  }
0xbe: {  	s0 =	sadd.s32 $0x8F2B, s0  }
0xbf: {  	[sflag:s0] =	ssyncadd.remote.s32 $0x1  }
0xc0: {  	_ =	sfence.sel $0xFFFF  }
0xc1: {  	[dreg:$0x0] =	wrdreg $0xFFFFFFFF;
	(pc) =	sbr.abs _section_cstart, $3  }
0xc2: {  	[dreg:$0x1] =	wrdreg $0xFFFFFFFF  }
0xc3: {  	_ =	task.clear_ibuf [dreg:s8], $0x2FFFF;
	_ =	strace $0x9FFFFFFF  }
0xc4: {  	(tm) =	ssettm $0x7FFFFFFF  }
0xc5: {  	_ =	shalt  }
tec
execute0_lowered:
.L_overlay_start_1:
0x0: {  	(tag) =	ssettag $0x1  }
0x1: {  	s17 =	rddreg [dreg:$0x0]  }
0x2: {  	s0 =	rddreg [dreg:$0x1]  }
0x3: {  	s20 =	rddreg [dreg:$0x2];
	s2 =	srdreg.scid  }
0x4: {  	s1 =	stileid.u32;
	s4 =	simm.s32 $0x0;
	s29 =	simm.s32 $0x8000  }
0x5: {  	s2 =	sand.u32 $0x1, s2;
	s5 =	sshll.u32 s1, $0x1;
	[smem:$0x7FF] =	sst s4  }
0x6: {  	s5 =	sor.u32 s2, s5;
	_ =	strace $0x80000047;
	s2 =	ssub.s32 $0x2, s2  }
0x7: {  	s6 =	sshll.u32 s5, $0x7;
	s5 =	sshll.u32 s5, $0x10;
	s25 =	sshrl.u32 s2, $0x1  }
0x8: {  	s8 =	sadd.s32 s6, s0;
	s6 =	sadd.s32 $0x1200, s0;
	s30 =	sadd.s32 s20, s5  }
0x9: {  	s7 =	sadd.s32 s17, s5;
	s26 =	sadd.s32 $0x200, s8;
	[dreg:$0x6] =	wrdreg s30  }
0xa: {  	v2 =	vlaneseq.u32;
	s0 =	ssub.s32 s2, s25;
	s28 =	sadd.s32 $0x800, s7;
	[dreg:$0x4] =	wrdreg s26  }
0xb: {  	s31 =	simm.s32 $0xC000;
	vm0 =	vmmov $0xffff;
	v1 =	vshrl.u32 v2, $0x3;
	s0 =	smax.u32 s0, $0x1;
	[dreg:$0x5] =	wrdreg s28  }
0xc: {  	s21 =	simm.s32 $0xC;
	v0 =	vand.u32 $0x7, v2;
	v2 =	vor.u32 $0x8, v2;
	v1 =	vmul.u32 $0x8, v1;
	s2 =	simm.s32 $0x0;
	[dreg:$0x7] =	wrdreg s0  }
.LBB2_1:
0xd: {  	[dreg:$0x8] =	wrdreg s2  }
0xe: {  	s0 =	rddreg [dreg:$0x4];
	s1 =	simm.s32 $0x18000;
	s15 =	simm.s32 $0xD  }
0xf: {  	[tilespmem:s1], [sflag:$0xD] =	stream.linear.gather [hbm4b:s0+s4], $0x400, $0x38;
	[tilespmem:$0x18400] =	vst v63  }
0x10: {  	_ =	swait.ge [sflag:s15], $0x400  }
0x11: {  	[sflag:s15] =	ssyncset.done $0x0  }
0x12: {  	[sflag:s15] =	ssyncadd.s32 $0xFFFFFC00  }
0x13: {  	[tilespmem:s4], [sflag:$0x1] =	stream.linear.gather [hbm4b:s7+s4], $0x4000, $0x38;
	[tilespmem:$0x18400] =	vst v63  }
0x14: {  	v3 =	vld [tilespmem:$0x18000];
	_ =	sdelay $0x4  }
0x15: {  	v4 =	vshll.u32 v3, $0x1  }
0x16: {  	v3 =	vand.u32 $0x7, v3;
	v4 =	vand.u32 $0xFFFFFFF0, v4  }
0x17: {  	v3 =	vor.u32 v3, v4  }
0x18: {  	v4 =	vperm.xlane v3, v0;
	_ =	sdelay $0x1  }
0x19: {  	v3 =	vperm.xlane v3, v2;
	v4 =	vadd.s32 v1, v4;
	_ =	sdelay $0x1  }
0x1a: {  	v3 =	vadd.s32 v1, v3;
	_ =	sdelay $0x1  }
0x1b: {  	s16 =	simm.s32 $0x10000  }
0x1c: {  	[tilespmem:s16], [sflag:$0x9] =	stream.indirect_vreg.gather [hbm4b:s6+s4], $0x80, v4, vm0, $0xb8;
	[tilespmem:$0x18400] =	vst v63  }
0x1d: {  	s18 =	simm.s32 $0x10800  }
0x1e: {  	[tilespmem:s18], [sflag:$0x9] =	stream.indirect_vreg.gather [hbm4b:s6+s4], $0x80, v3, vm0, $0xb8;
	[tilespmem:$0x18400] =	vst v63  }
0x1f: {  	v3 =	vld [tilespmem:$0x18010];
	_ =	sdelay $0x4  }
0x20: {  	v61 =	vshll.u32 v3, $0x1  }
0x21: {  	v3 =	vand.u32 $0x7, v3;
	v4 =	vand.u32 $0xFFFFFFF0, v61  }
0x22: {  	v3 =	vor.u32 v3, v4  }
0x23: {  	v4 =	vperm.xlane v3, v0;
	_ =	sdelay $0x1  }
0x24: {  	v3 =	vperm.xlane v3, v2;
	v4 =	vadd.s32 v1, v4;
	_ =	sdelay $0x1  }
0x25: {  	v3 =	vadd.s32 v1, v3;
	_ =	sdelay $0x1  }
0x26: {  	s19 =	simm.s32 $0x11000  }
0x27: {  	[tilespmem:s19], [sflag:$0x9] =	stream.indirect_vreg.gather [hbm4b:s6+s4], $0x80, v4, vm0, $0xb8;
	[tilespmem:$0x18400] =	vst v63  }
0x28: {  	s22 =	simm.s32 $0x11800  }
0x29: {  	[tilespmem:s22], [sflag:$0x9] =	stream.indirect_vreg.gather [hbm4b:s6+s4], $0x80, v3, vm0, $0xb8;
	[tilespmem:$0x18400] =	vst v63  }
0x2a: {  	s24 =	simm.s32 $0x4000;
	s23 =	rddreg [dreg:$0x5]  }
0x2b: {  	[tilespmem:s24], [sflag:$0x2] =	stream.linear.gather [hbm4b:s23+s4], $0x4000, $0x38;
	[tilespmem:$0x18400] =	vst v63  }
0x2c: {  	v3 =	vld [tilespmem:$0x18020];
	_ =	sdelay $0x4  }
0x2d: {  	v62 =	vshll.u32 v3, $0x1  }
0x2e: {  	v3 =	vand.u32 $0x7, v3;
	v4 =	vand.u32 $0xFFFFFFF0, v62  }
0x2f: {  	v3 =	vor.u32 v3, v4  }
0x30: {  	v4 =	vperm.xlane v3, v0;
	_ =	sdelay $0x1  }
0x31: {  	v3 =	vperm.xlane v3, v2;
	v4 =	vadd.s32 v1, v4;
	_ =	sdelay $0x1  }
0x32: {  	v3 =	vadd.s32 v1, v3;
	_ =	sdelay $0x1  }
0x33: {  	s25 =	simm.s32 $0x12000  }
0x34: {  	[tilespmem:s25], [sflag:$0xA] =	stream.indirect_vreg.gather [hbm4b:s6+s4], $0x80, v4, vm0, $0xb8;
	[tilespmem:$0x18400] =	vst v63  }
0x35: {  	s26 =	simm.s32 $0x12800  }
0x36: {  	[tilespmem:s26], [sflag:$0xA] =	stream.indirect_vreg.gather [hbm4b:s6+s4], $0x80, v3, vm0, $0xb8;
	[tilespmem:$0x18400] =	vst v63  }
0x37: {  	v3 =	vld [tilespmem:$0x18030];
	_ =	sdelay $0x4  }
0x38: {  	v63 =	vshll.u32 v3, $0x1  }
0x39: {  	v3 =	vand.u32 $0x7, v3;
	v4 =	vand.u32 $0xFFFFFFF0, v63  }
0x3a: {  	v3 =	vor.u32 v3, v4  }
0x3b: {  	v4 =	vperm.xlane v3, v0;
	_ =	sdelay $0x1  }
0x3c: {  	v3 =	vperm.xlane v3, v2;
	v4 =	vadd.s32 v1, v4;
	_ =	sdelay $0x1  }
0x3d: {  	v3 =	vadd.s32 v1, v3;
	_ =	sdelay $0x1  }
0x3e: {  	s28 =	simm.s32 $0x13000  }
0x3f: {  	[tilespmem:s28], [sflag:$0xA] =	stream.indirect_vreg.gather [hbm4b:s6+s4], $0x80, v4, vm0, $0xb8;
	[tilespmem:$0x18400] =	vst v63  }
0x40: {  	s30 =	simm.s32 $0x13800;
	s22 =	simm.s32 $0x0  }
0x41: {  	[tilespmem:s30], [sflag:$0xA] =	stream.indirect_vreg.gather [hbm4b:s6+s4], $0x80, v3, vm0, $0xb8;
	[tilespmem:$0x18400] =	vst v63  }
.LBB2_2:
0x42: {  	s0 =	simm.s32 $0x1  }
0x43: {  	_ =	swait.ge [sflag:s0], $0x4000  }
0x44: {  	[sflag:s0] =	ssyncset.done $0x0  }
0x45: {  	s16 =	simm.s32 $0x9;
	[sflag:s0] =	ssyncadd.s32 $0xFFFFC000  }
0x46: {  	_ =	swait.ge [sflag:s16], $0x2000  }
0x47: {  	s8 =	sshll.u32 s22, $0x2;
	p0 =	seq.s32 s22, $0x0;
	[sflag:s16] =	ssyncset.done $0x0  }
0x48: {  	s9 =	simm.s32 @!p0 $0x7;
	s12 =	sor.u32 $0x2, s8;
	[sflag:s16] =	ssyncadd.s32 $0xFFFFE000  }
0x49: {  	s11 =	sshll.u32 s12, $0xB;
	s12 =	sshll.u32 s12, $0x5;
	_ =	swait.ge @!p0 [sflag:s9], $0x4000  }
0x4a: {  	s11 =	sadd.s32 s5, s11;
	s12 =	sand.u32 $0x3FFFFFE0, s12;
	[sflag:s9] =	ssyncset.done @!p0 $0x0  }
0x4b: {  	s13 =	sadd.s32 s17, s11;
	[sflag:s9] =	ssyncadd.s32 @!p0 $0xFFFFC000;
	s9 =	simm.s32 $0x0  }
0x4c: {  	[tilespmem:s29], [sflag:$0x3] =	stream.linear.gather [hbm4b:s13+s9], $0x4000, $0x38;
	[tilespmem:$0x18400] =	vst v63  }
0x4d: {  	v3 =	vld [tilespmem:s12+$0x18000];
	_ =	sdelay $0x4  }
0x4e: {  	v4 =	vshll.u32 v3, $0x1  }
0x4f: {  	v3 =	vand.u32 $0x7, v3;
	v4 =	vand.u32 $0xFFFFFFF0, v4  }
0x50: {  	v3 =	vor.u32 v3, v4  }
0x51: {  	v4 =	vperm.xlane v3, v0;
	_ =	sdelay $0x1  }
0x52: {  	v3 =	vperm.xlane v3, v2;
	v4 =	vadd.s32 v1, v4;
	_ =	sdelay $0x1  }
0x53: {  	v3 =	vadd.s32 v1, v3;
	_ =	sdelay $0x1  }
0x54: {  	s18 =	simm.s32 $0x14000  }
0x55: {  	[tilespmem:s18], [sflag:$0xB] =	stream.indirect_vreg.gather [hbm4b:s6+s9], $0x80, v4, vm0, $0xb8;
	[tilespmem:$0x18400] =	vst v63  }
0x56: {  	s19 =	simm.s32 $0x14800  }
0x57: {  	[tilespmem:s19], [sflag:$0xB] =	stream.indirect_vreg.gather [hbm4b:s6+s9], $0x80, v3, vm0, $0xb8;
	[tilespmem:$0x18400] =	vst v63  }
0x58: {  	v3 =	vld [tilespmem:s12+$0x18010];
	_ =	sdelay $0x4  }
0x59: {  	v4 =	vshll.u32 v3, $0x1  }
0x5a: {  	v3 =	vand.u32 $0x7, v3;
	v4 =	vand.u32 $0xFFFFFFF0, v4  }
0x5b: {  	v3 =	vor.u32 v3, v4  }
0x5c: {  	v4 =	vperm.xlane v3, v0;
	_ =	sdelay $0x1  }
0x5d: {  	v3 =	vperm.xlane v3, v2;
	v4 =	vadd.s32 v1, v4;
	_ =	sdelay $0x1  }
0x5e: {  	s25 =	sand.u32 $0x80, s9;
	v3 =	vadd.s32 v1, v3  }
0x5f: {  	s14 =	simm.s32 $0x0;
	s0 =	sand.u32 $0x1800, s9;
	s15 =	sshll.u32 s25, $0x3  }
0x60: {  	s23 =	simm.s32 $0x15000;
	s14 =	sand.u32 $0x380, s14;
	s13 =	sor.u32 s15, s0  }
0x61: {  	[tilespmem:s23], [sflag:$0xB] =	stream.indirect_vreg.gather [hbm4b:s6+s9], $0x80, v4, vm0, $0xb8;
	[tilespmem:$0x18400] =	vst v63  }
0x62: {  	s24 =	simm.s32 $0x15800;
	s13 =	sor.u32 s14, s13  }
0x63: {  	[tilespmem:s24], [sflag:$0xB] =	stream.indirect_vreg.gather [hbm4b:s6+s9], $0x80, v3, vm0, $0xb8;
	[tilespmem:$0x18400] =	vst v63  }
0x64: {  	v3 =	vld [tilespmem:s13+$0x10070]  }
0x65: {  	s1 =	simm.s32 $0x0;
	v4 =	vld [tilespmem:s13+$0x10000]  }
0x66: {  	s26 =	sand.u32 $0x2000, s9;
	s15 =	sand.u32 $0x1000, s1;
	v5 =	vld [tilespmem:s13+$0x10010]  }
0x67: {  	s15 =	sor.u32 s15, s26;
	s12 =	sshll.u32 s25, $0x4;
	v6 =	vld [tilespmem:s13+$0x10020]  }
0x68: {  	s12 =	sor.u32 s12, s15;
	v7 =	vld [tilespmem:s13+$0x10030]  }
0x69: {  	s14 =	sor.u32 s14, s12;
	v8 =	vld [tilespmem:s13+$0x10040]  }
0x6a: {  	s12 =	sor.u32 $0x460, s14;
	v10 =	vld [tilespmem:s13+$0x10060];
	v9 =	vshll.u32 v3, $0x10  }
0x6b: {  	v62 =	vshll.u32 v4, $0x10;
	[tilespmem:s12+$0x0] =	vst.add.f32.msk $0xffff, v9  }
0x6c: {  	s10 =	sor.u32 $0x20, s14;
	v63 =	vshll.u32 v5, $0x10;
	[tilespmem:s14+$0x0] =	vst.add.f32.msk $0xffff, v62  }
0x6d: {  	s2 =	sor.u32 $0x470, s14;
	v3 =	vand.u32 $0xFFFF0000, v3;
	[tilespmem:s10+$0x0] =	vst.add.f32.msk $0xffff, v63  }
0x6e: {  	[tilespmem:s2+$0x0] =	vst.add.f32.msk $0xffff, v3  }
0x6f: {  	s3 =	sor.u32 $0x10, s14;
	v4 =	vand.u32 $0xFFFF0000, v4;
	v3 =	vld [tilespmem:s13+$0x10050]  }
0x70: {  	s15 =	sor.u32 $0x30, s14;
	[tilespmem:s3+$0x0] =	vst.add.f32.msk $0xffff, v4;
	v4 =	vand.u32 $0xFFFF0000, v5  }
0x71: {  	s16 =	sor.u32 $0x40, s14;
	v5 =	vshll.u32 v6, $0x10;
	[tilespmem:s15+$0x0] =	vst.add.f32.msk $0xffff, v4  }
0x72: {  	s18 =	sor.u32 $0x50, s14;
	v4 =	vand.u32 $0xFFFF0000, v6;
	[tilespmem:s16+$0x0] =	vst.add.f32.msk $0xffff, v5  }
0x73: {  	s19 =	sor.u32 $0x60, s14;
	v5 =	vshll.u32 v7, $0x10;
	[tilespmem:s18+$0x0] =	vst.add.f32.msk $0xffff, v4  }
0x74: {  	s23 =	sor.u32 $0x70, s14;
	v4 =	vand.u32 $0xFFFF0000, v7;
	[tilespmem:s19+$0x0] =	vst.add.f32.msk $0xffff, v5  }
0x75: {  	s26 =	simm.s32 $0x80;
	s24 =	sor.u32 $0x400, s14;
	v5 =	vshll.u32 v8, $0x10;
	[tilespmem:s23+$0x0] =	vst.add.f32.msk $0xffff, v4  }
0x76: {  	s25 =	sor.u32 $0x410, s14;
	s29 =	sor.u32 $0x430, s14;
	s30 =	sor.u32 $0x440, s14;
	v7 =	vand.u32 $0xFFFF0000, v8;
	[tilespmem:s24+$0x0] =	vst.add.f32.msk $0xffff, v5;
	v4 =	vshll.u32 v10, $0x10  }
0x77: {  	s28 =	sor.u32 $0x450, s14;
	s12 =	sor.u32 $0x420, s14;
	s13 =	simm.s32 $0x0;
	[tilespmem:s25+$0x0] =	vst.add.f32.msk $0xffff, v7;
	v6 =	vshll.u32 v3, $0x10;
	v5 =	vand.u32 $0xFFFF0000, v3;
	v3 =	vand.u32 $0xFFFF0000, v10  }
.LBB2_3:
0x78: {  	s13 =	sadd.s32 $0x8, s13;
	s14 =	sand.u32 $0x80, s26;
	[tilespmem:s12+$0x0] =	vst.add.f32.msk $0xffff, v6  }
0x79: {  	s12 =	sand.u32 $0x1800, s26;
	s15 =	sshll.u32 s13, $0x3;
	s16 =	sshll.u32 s14, $0x3;
	[tilespmem:s29+$0x0] =	vst.add.f32.msk $0xffff, v5  }
0x7a: {  	p1 =	slt.u32 s13, $0x1F8;
	s15 =	sand.u32 $0x380, s15;
	s12 =	sor.u32 s16, s12;
	[tilespmem:s30+$0x0] =	vst.add.f32.msk $0xffff, v4  }
0x7b: {  	s16 =	sor.u32 s15, s12;
	[tilespmem:s28+$0x0] =	vst.add.f32.msk $0xffff, v3  }
0x7c: {  	s9 =	sadd.s32 $0x200, s9;
	s12 =	sshll.u32 s13, $0x4;
	v3 =	vld [tilespmem:s16+$0x10070]  }
0x7d: {  	s28 =	sand.u32 $0x2000, s9;
	s12 =	sand.u32 $0x1000, s12;
	v4 =	vld [tilespmem:s16+$0x10000]  }
0x7e: {  	s14 =	sshll.u32 s14, $0x4;
	s12 =	sor.u32 s12, s28;
	v5 =	vld [tilespmem:s16+$0x10010]  }
0x7f: {  	s12 =	sor.u32 s14, s12;
	v6 =	vld [tilespmem:s16+$0x10020]  }
0x80: {  	s14 =	sor.u32 s15, s12;
	v7 =	vld [tilespmem:s16+$0x10030]  }
0x81: {  	s15 =	sor.u32 $0x10, s14;
	s18 =	sor.u32 $0x20, s14;
	s12 =	sor.u32 $0x460, s14;
	v8 =	vld [tilespmem:s16+$0x10040];
	v9 =	vshll.u32 v3, $0x10  }
0x82: {  	s1 =	sor.u32 $0x30, s14;
	s3 =	sor.u32 $0x40, s14;
	v3 =	vand.u32 $0xFFFF0000, v3;
	v10 =	vshll.u32 v4, $0x10;
	v4 =	vand.u32 $0xFFFF0000, v4;
	[tilespmem:s12+$0x0] =	vst.add.f32.msk $0xffff, v9;
	s12 =	sor.u32 $0x470, s14  }
0x83: {  	s10 =	sor.u32 $0x50, s14;
	s25 =	sor.u32 $0x60, s14;
	s2 =	sor.u32 $0x70, s14;
	v9 =	vshll.u32 v5, $0x10;
	v5 =	vand.u32 $0xFFFF0000, v5;
	[tilespmem:s12+$0x0] =	vst.add.f32.msk $0xffff, v3  }
0x84: {  	s23 =	sor.u32 $0x400, s14;
	s24 =	sor.u32 $0x410, s14;
	s12 =	sor.u32 $0x420, s14;
	v3 =	vshll.u32 v6, $0x10;
	v11 =	vand.u32 $0xFFFF0000, v6;
	v12 =	vld [tilespmem:s16+$0x10050]  }
0x85: {  	s29 =	sor.u32 $0x430, s14;
	s30 =	sor.u32 $0x440, s14;
	s28 =	sor.u32 $0x450, s14;
	v13 =	vshll.u32 v7, $0x10;
	v7 =	vand.u32 $0xFFFF0000, v7;
	v14 =	vld [tilespmem:s16+$0x10060]  }
0x86: {  	[tilespmem:s14+$0x0] =	vst.add.f32.msk $0xffff, v10;
	v10 =	vshll.u32 v8, $0x10;
	v8 =	vand.u32 $0xFFFF0000, v8  }
0x87: {  	[tilespmem:s15+$0x0] =	vst.add.f32.msk $0xffff, v4  }
0x88: {  	[tilespmem:s18+$0x0] =	vst.add.f32.msk $0xffff, v9  }
0x89: {  	[tilespmem:s1+$0x0] =	vst.add.f32.msk $0xffff, v5;
	v6 =	vshll.u32 v12, $0x10;
	v5 =	vand.u32 $0xFFFF0000, v12  }
0x8a: {  	[tilespmem:s3+$0x0] =	vst.add.f32.msk $0xffff, v3;
	v4 =	vshll.u32 v14, $0x10;
	v3 =	vand.u32 $0xFFFF0000, v14  }
.Ltmp0:
0x8b: {  	[tilespmem:s10+$0x0] =	vst.add.f32.msk $0xffff, v11;
	(pc) =	sbr.rel @p1 .LBB2_3-.Ltmp0, $4  }
0x8c: {  	[tilespmem:s25+$0x0] =	vst.add.f32.msk $0xffff, v13  }
0x8d: {  	[tilespmem:s2+$0x0] =	vst.add.f32.msk $0xffff, v7  }
0x8e: {  	[tilespmem:s23+$0x0] =	vst.add.f32.msk $0xffff, v10  }
0x8f: {  	s26 =	sadd.s32 $0x80, s26;
	[tilespmem:s24+$0x0] =	vst.add.f32.msk $0xffff, v8  }
0x90: {  	[tilespmem:s12+$0x0] =	vst.add.f32.msk $0xffff, v6  }
0x91: {  	[tilespmem:s30+$0x0] =	vst.add.f32.msk $0xffff, v4  }
0x92: {  	[tilespmem:s29+$0x0] =	vst.add.f32.msk $0xffff, v5  }
0x93: {  	[tilespmem:s28+$0x0] =	vst.add.f32.msk $0xffff, v3  }
0x94: {  	s1 =	sshll.u32 s22, $0xD;
	s0 =	rddreg [dreg:$0x6]  }
0x95: {  	s9 =	simm.s32 $0x2;
	s13 =	sadd.s32 s1, s0  }
0x96: {  	[hbm4b:s13+s4] =	stream.linear.scatter [tilespmem:s4], [sflag:$0x5], $0x4000, $0x38;
	[tilespmem:$0x18400] =	vst v63  }
0x97: {  	_ =	swait.ge [sflag:s9], $0x4000  }
0x98: {  	[sflag:s9] =	ssyncset.done $0x0  }
0x99: {  	s10 =	simm.s32 $0xA;
	[sflag:s9] =	ssyncadd.s32 $0xFFFFC000  }
0x9a: {  	_ =	swait.ge [sflag:s10], $0x2000  }
0x9b: {  	[sflag:s10] =	ssyncset.done $0x0  }
0x9c: {  	s2 =	sor.u32 $0x3, s8;
	s1 =	simm.s32 @!p0 $0x8;
	[sflag:s10] =	ssyncadd.s32 $0xFFFFE000  }
0x9d: {  	s26 =	simm.s32 $0x0;
	s3 =	sshll.u32 s2, $0xB;
	_ =	swait.ge @!p0 [sflag:s1], $0x4000  }
0x9e: {  	s14 =	sshll.u32 s2, $0x5;
	s9 =	sadd.s32 s5, s3;
	[sflag:s1] =	ssyncset.done @!p0 $0x0  }
0x9f: {  	s12 =	sadd.s32 s17, s9;
	[sflag:s1] =	ssyncadd.s32 @!p0 $0xFFFFC000;
	s1 =	sand.u32 $0x3FFFFFE0, s14  }
0xa0: {  	[tilespmem:s31], [sflag:$0x4] =	stream.linear.gather [hbm4b:s12+s26], $0x4000, $0x38;
	[tilespmem:$0x18400] =	vst v63  }
0xa1: {  	v3 =	vld [tilespmem:s1+$0x18000];
	_ =	sdelay $0x4  }
0xa2: {  	v4 =	vshll.u32 v3, $0x1  }
0xa3: {  	v3 =	vand.u32 $0x7, v3;
	v4 =	vand.u32 $0xFFFFFFF0, v4  }
0xa4: {  	v3 =	vor.u32 v3, v4  }
0xa5: {  	v4 =	vperm.xlane v3, v0;
	_ =	sdelay $0x1  }
0xa6: {  	v3 =	vperm.xlane v3, v2;
	v4 =	vadd.s32 v1, v4;
	_ =	sdelay $0x1  }
0xa7: {  	v3 =	vadd.s32 v1, v3;
	_ =	sdelay $0x1  }
0xa8: {  	s15 =	simm.s32 $0x16000  }
0xa9: {  	[tilespmem:s15], [sflag:$0xC] =	stream.indirect_vreg.gather [hbm4b:s6+s26], $0x80, v4, vm0, $0xb8;
	[tilespmem:$0x18400] =	vst v63  }
0xaa: {  	s16 =	simm.s32 $0x16800  }
0xab: {  	[tilespmem:s16], [sflag:$0xC] =	stream.indirect_vreg.gather [hbm4b:s6+s26], $0x80, v3, vm0, $0xb8;
	[tilespmem:$0x18400] =	vst v63  }
0xac: {  	v3 =	vld [tilespmem:s1+$0x18010];
	_ =	sdelay $0x4  }
0xad: {  	v4 =	vshll.u32 v3, $0x1  }
0xae: {  	v3 =	vand.u32 $0x7, v3;
	v4 =	vand.u32 $0xFFFFFFF0, v4  }
0xaf: {  	v3 =	vor.u32 v3, v4  }
0xb0: {  	v4 =	vperm.xlane v3, v0;
	_ =	sdelay $0x1  }
0xb1: {  	v3 =	vperm.xlane v3, v2;
	v4 =	vadd.s32 v1, v4;
	_ =	sdelay $0x1  }
0xb2: {  	s19 =	smov.u32 s17;
	s23 =	sand.u32 $0x80, s26;
	v3 =	vadd.s32 v1, v3  }
0xb3: {  	s25 =	simm.s32 $0x0;
	s24 =	sand.u32 $0x1800, s26;
	s10 =	sshll.u32 s23, $0x3  }
0xb4: {  	s3 =	sand.u32 $0x380, s25;
	s17 =	simm.s32 $0x17000;
	s2 =	sor.u32 s10, s24  }
0xb5: {  	[tilespmem:s17], [sflag:$0xC] =	stream.indirect_vreg.gather [hbm4b:s6+s26], $0x80, v4, vm0, $0xb8;
	[tilespmem:$0x18400] =	vst v63  }
0xb6: {  	s18 =	simm.s32 $0x17800;
	s2 =	sor.u32 s3, s2  }
0xb7: {  	[tilespmem:s18], [sflag:$0xC] =	stream.indirect_vreg.gather [hbm4b:s6+s26], $0x80, v3, vm0, $0xb8;
	[tilespmem:$0x18400] =	vst v63  }
0xb8: {  	v3 =	vld [tilespmem:s2+$0x12070]  }
0xb9: {  	s31 =	simm.s32 $0x0;
	v4 =	vld [tilespmem:s2+$0x12000]  }
0xba: {  	s0 =	sand.u32 $0x2000, s26;
	s10 =	sand.u32 $0x1000, s31;
	v5 =	vld [tilespmem:s2+$0x12010]  }
0xbb: {  	s10 =	sor.u32 s10, s0;
	s1 =	sshll.u32 s23, $0x4;
	v6 =	vld [tilespmem:s2+$0x12020]  }
0xbc: {  	s1 =	sor.u32 s1, s10;
	v7 =	vld [tilespmem:s2+$0x12030]  }
0xbd: {  	s1 =	sor.u32 s3, s1;
	v8 =	vld [tilespmem:s2+$0x12040]  }
0xbe: {  	s3 =	sor.u32 $0x4460, s1;
	v10 =	vld [tilespmem:s2+$0x12060];
	v9 =	vshll.u32 v3, $0x10  }
0xbf: {  	s12 =	sor.u32 $0x4000, s1;
	v62 =	vshll.u32 v4, $0x10;
	[tilespmem:s3+$0x0] =	vst.add.f32.msk $0xffff, v9  }
0xc0: {  	s15 =	sor.u32 $0x4020, s1;
	v63 =	vshll.u32 v5, $0x10;
	[tilespmem:s12+$0x0] =	vst.add.f32.msk $0xffff, v62  }
0xc1: {  	s10 =	sor.u32 $0x4470, s1;
	v3 =	vand.u32 $0xFFFF0000, v3;
	[tilespmem:s15+$0x0] =	vst.add.f32.msk $0xffff, v63  }
0xc2: {  	[tilespmem:s10+$0x0] =	vst.add.f32.msk $0xffff, v3  }
0xc3: {  	s14 =	sor.u32 $0x4010, s1;
	v4 =	vand.u32 $0xFFFF0000, v4;
	v3 =	vld [tilespmem:s2+$0x12050]  }
0xc4: {  	s16 =	sor.u32 $0x4030, s1;
	[tilespmem:s14+$0x0] =	vst.add.f32.msk $0xffff, v4;
	v4 =	vand.u32 $0xFFFF0000, v5  }
0xc5: {  	s17 =	sor.u32 $0x4040, s1;
	v5 =	vshll.u32 v6, $0x10;
	[tilespmem:s16+$0x0] =	vst.add.f32.msk $0xffff, v4  }
0xc6: {  	s18 =	sor.u32 $0x4050, s1;
	v4 =	vand.u32 $0xFFFF0000, v6;
	[tilespmem:s17+$0x0] =	vst.add.f32.msk $0xffff, v5  }
0xc7: {  	s23 =	sor.u32 $0x4060, s1;
	v5 =	vshll.u32 v7, $0x10;
	[tilespmem:s18+$0x0] =	vst.add.f32.msk $0xffff, v4  }
0xc8: {  	s24 =	sor.u32 $0x4070, s1;
	v4 =	vand.u32 $0xFFFF0000, v7;
	[tilespmem:s23+$0x0] =	vst.add.f32.msk $0xffff, v5  }
0xc9: {  	s28 =	simm.s32 $0x0;
	s25 =	sor.u32 $0x4400, s1;
	v5 =	vshll.u32 v8, $0x10;
	[tilespmem:s24+$0x0] =	vst.add.f32.msk $0xffff, v4  }
0xca: {  	s29 =	simm.s32 $0x80;
	s31 =	sor.u32 $0x4410, s1;
	s30 =	sor.u32 $0x4430, s1;
	v7 =	vand.u32 $0xFFFF0000, v8;
	[tilespmem:s25+$0x0] =	vst.add.f32.msk $0xffff, v5;
	v4 =	vshll.u32 v10, $0x10  }
0xcb: {  	s15 =	sor.u32 $0x4420, s1;
	s12 =	sor.u32 $0x4440, s1;
	s14 =	sor.u32 $0x4450, s1;
	[tilespmem:s31+$0x0] =	vst.add.f32.msk $0xffff, v7;
	v6 =	vshll.u32 v3, $0x10;
	v5 =	vand.u32 $0xFFFF0000, v3;
	v3 =	vand.u32 $0xFFFF0000, v10  }
.LBB2_5:
0xcc: {  	s28 =	sadd.s32 $0x8, s28;
	s1 =	sand.u32 $0x80, s29;
	[tilespmem:s15+$0x0] =	vst.add.f32.msk $0xffff, v6  }
0xcd: {  	s2 =	sand.u32 $0x1800, s29;
	s3 =	sshll.u32 s28, $0x3;
	s10 =	sshll.u32 s1, $0x3;
	[tilespmem:s30+$0x0] =	vst.add.f32.msk $0xffff, v5  }
0xce: {  	p0 =	slt.u32 s28, $0x1F8;
	s3 =	sand.u32 $0x380, s3;
	s2 =	sor.u32 s10, s2;
	[tilespmem:s12+$0x0] =	vst.add.f32.msk $0xffff, v4  }
0xcf: {  	s2 =	sor.u32 s3, s2;
	[tilespmem:s14+$0x0] =	vst.add.f32.msk $0xffff, v3  }
0xd0: {  	s26 =	sadd.s32 $0x200, s26;
	s10 =	sshll.u32 s28, $0x4;
	v3 =	vld [tilespmem:s2+$0x12070]  }
0xd1: {  	s12 =	sand.u32 $0x2000, s26;
	s10 =	sand.u32 $0x1000, s10;
	v4 =	vld [tilespmem:s2+$0x12000]  }
0xd2: {  	s1 =	sshll.u32 s1, $0x4;
	s10 =	sor.u32 s10, s12;
	v5 =	vld [tilespmem:s2+$0x12010]  }
0xd3: {  	s1 =	sor.u32 s1, s10;
	v6 =	vld [tilespmem:s2+$0x12020]  }
0xd4: {  	s1 =	sor.u32 s3, s1;
	v7 =	vld [tilespmem:s2+$0x12030]  }
0xd5: {  	s3 =	sor.u32 $0x4000, s1;
	s10 =	sor.u32 $0x4010, s1;
	s12 =	sor.u32 $0x4460, s1;
	v8 =	vld [tilespmem:s2+$0x12040];
	v9 =	vshll.u32 v3, $0x10  }
0xd6: {  	s16 =	sor.u32 $0x4020, s1;
	s18 =	sor.u32 $0x4030, s1;
	v3 =	vand.u32 $0xFFFF0000, v3;
	v10 =	vshll.u32 v4, $0x10;
	v4 =	vand.u32 $0xFFFF0000, v4;
	[tilespmem:s12+$0x0] =	vst.add.f32.msk $0xffff, v9;
	s12 =	sor.u32 $0x4470, s1  }
0xd7: {  	s23 =	sor.u32 $0x4040, s1;
	s24 =	sor.u32 $0x4050, s1;
	s25 =	sor.u32 $0x4060, s1;
	v9 =	vshll.u32 v5, $0x10;
	v5 =	vand.u32 $0xFFFF0000, v5;
	[tilespmem:s12+$0x0] =	vst.add.f32.msk $0xffff, v3  }
0xd8: {  	s31 =	sor.u32 $0x4070, s1;
	s0 =	sor.u32 $0x4400, s1;
	s17 =	sor.u32 $0x4410, s1;
	v3 =	vshll.u32 v6, $0x10;
	v11 =	vand.u32 $0xFFFF0000, v6;
	v12 =	vld [tilespmem:s2+$0x12050]  }
0xd9: {  	s15 =	sor.u32 $0x4420, s1;
	s30 =	sor.u32 $0x4430, s1;
	s12 =	sor.u32 $0x4440, s1;
	v13 =	vshll.u32 v7, $0x10;
	v7 =	vand.u32 $0xFFFF0000, v7;
	v14 =	vld [tilespmem:s2+$0x12060]  }
0xda: {  	s14 =	sor.u32 $0x4450, s1;
	[tilespmem:s3+$0x0] =	vst.add.f32.msk $0xffff, v10;
	v10 =	vshll.u32 v8, $0x10;
	v8 =	vand.u32 $0xFFFF0000, v8  }
0xdb: {  	[tilespmem:s10+$0x0] =	vst.add.f32.msk $0xffff, v4  }
0xdc: {  	[tilespmem:s16+$0x0] =	vst.add.f32.msk $0xffff, v9  }
0xdd: {  	[tilespmem:s18+$0x0] =	vst.add.f32.msk $0xffff, v5;
	v6 =	vshll.u32 v12, $0x10;
	v5 =	vand.u32 $0xFFFF0000, v12  }
0xde: {  	[tilespmem:s23+$0x0] =	vst.add.f32.msk $0xffff, v3;
	v4 =	vshll.u32 v14, $0x10;
	v3 =	vand.u32 $0xFFFF0000, v14  }
.Ltmp1:
0xdf: {  	[tilespmem:s24+$0x0] =	vst.add.f32.msk $0xffff, v11;
	(pc) =	sbr.rel @p0 .LBB2_5-.Ltmp1, $4  }
0xe0: {  	[tilespmem:s25+$0x0] =	vst.add.f32.msk $0xffff, v13  }
0xe1: {  	[tilespmem:s31+$0x0] =	vst.add.f32.msk $0xffff, v7  }
0xe2: {  	[tilespmem:s0+$0x0] =	vst.add.f32.msk $0xffff, v10  }
0xe3: {  	s29 =	sadd.s32 $0x80, s29;
	[tilespmem:s17+$0x0] =	vst.add.f32.msk $0xffff, v8  }
0xe4: {  	[tilespmem:s15+$0x0] =	vst.add.f32.msk $0xffff, v6  }
0xe5: {  	[tilespmem:s12+$0x0] =	vst.add.f32.msk $0xffff, v4  }
0xe6: {  	[tilespmem:s30+$0x0] =	vst.add.f32.msk $0xffff, v5  }
0xe7: {  	s0 =	sadd.s32 $0x800, s13;
	s1 =	simm.s32 $0x4000;
	s23 =	simm.s32 $0x3;
	[tilespmem:s14+$0x0] =	vst.add.f32.msk $0xffff, v3  }
0xe8: {  	[hbm4b:s0+s4] =	stream.linear.scatter [tilespmem:s1], [sflag:$0x6], $0x4000, $0x38;
	[tilespmem:$0x18400] =	vst v63  }
0xe9: {  	_ =	swait.ge [sflag:s23], $0x4000  }
0xea: {  	[sflag:s23] =	ssyncset.done $0x0  }
0xeb: {  	s24 =	simm.s32 $0xB;
	[sflag:s23] =	ssyncadd.s32 $0xFFFFC000  }
0xec: {  	_ =	swait.ge [sflag:s24], $0x2000  }
0xed: {  	p0 =	seq.s32 s22, $0x7;
	[sflag:s24] =	ssyncset.done $0x0  }
0xee: {  	s0 =	simm.s32 @!p0 $0x5;
	[sflag:s24] =	ssyncadd.s32 $0xFFFFE000  }
0xef: {  	s1 =	sadd.s32 @!p0 $0x4, s8;
	_ =	swait.ge @!p0 [sflag:s0], $0x4000  }
0xf0: {  	s2 =	sshll.u32 @!p0 s1, $0xB;
	[sflag:s0] =	ssyncset.done @!p0 $0x0  }
0xf1: {  	[sflag:s0] =	ssyncadd.s32 @!p0 $0xFFFFC000;
	s0 =	sadd.s32 @!p0 s2, s7;
	s2 =	simm.s32 @!p0 $0x0  }
0xf2: {  	[tilespmem:s2], [sflag:$0x1] =	stream.linear.gather @!p0 [hbm4b:s0+s2], $0x4000, $0x38;
	[tilespmem:$0x18400] =	vst v63  }
0xf3: {  	s0 =	sshll.u32 @!p0 s1, $0x5  }
0xf4: {  	s0 =	sand.u32 @!p0 $0x3FFFFFE0, s0  }
0xf5: {  	v3 =	vld @!p0 [tilespmem:s0+$0x18000];
	_ =	sdelay $0x4  }
0xf6: {  	v4 =	vshll.u32 @!p0 v3, $0x1  }
0xf7: {  	v5 =	vlaneseq.u32 @!p0;
	v3 =	vand.u32 @!p0 $0x7, v3;
	v4 =	vand.u32 @!p0 $0xFFFFFFF0, v4  }
0xf8: {  	v6 =	vshrl.u32 @!p0 v5, $0x3;
	v3 =	vor.u32 @!p0 v3, v4;
	v4 =	vand.u32 @!p0 $0x7, v5  }
0xf9: {  	v6 =	vmul.u32 @!p0 $0x8, v6;
	v7 =	vperm.xlane @!p0 v3, v4  }
0xfa: {  	v5 =	vor.u32 @!p0 $0x8, v5  }
0xfb: {  	v3 =	vperm.xlane @!p0 v3, v5;
	v7 =	vadd.s32 @!p0 v6, v7;
	_ =	sdelay $0x1  }
0xfc: {  	v3 =	vadd.s32 @!p0 v6, v3;
	_ =	sdelay $0x1  }
0xfd: {  	vm1 =	vmmov @!p0 $0xffff;
	s1 =	simm.s32 @!p0 $0x10000  }
0xfe: {  	[tilespmem:s1], [sflag:$0x9] =	stream.indirect_vreg.gather @!p0 [hbm4b:s6+s2], $0x80, v7, vm1, $0xb8;
	[tilespmem:$0x18400] =	vst v63  }
0xff: {  	s1 =	simm.s32 @!p0 $0x10800  }
0x100: {  	[tilespmem:s1], [sflag:$0x9] =	stream.indirect_vreg.gather @!p0 [hbm4b:s6+s2], $0x80, v3, vm1, $0xb8;
	[tilespmem:$0x18400] =	vst v63  }
0x101: {  	v3 =	vld @!p0 [tilespmem:s0+$0x18010];
	_ =	sdelay $0x4  }
0x102: {  	v7 =	vshll.u32 @!p0 v3, $0x1  }
0x103: {  	v3 =	vand.u32 @!p0 $0x7, v3;
	v7 =	vand.u32 @!p0 $0xFFFFFFF0, v7  }
0x104: {  	v3 =	vor.u32 @!p0 v3, v7  }
0x105: {  	v4 =	vperm.xlane @!p0 v3, v4;
	_ =	sdelay $0x1  }
0x106: {  	v3 =	vperm.xlane @!p0 v3, v5;
	v4 =	vadd.s32 @!p0 v6, v4;
	_ =	sdelay $0x1  }
0x107: {  	v3 =	vadd.s32 @!p0 v6, v3  }
0x108: {  	s13 =	simm.s32 $0x0  }
0x109: {  	s25 =	sand.u32 $0x80, s13;
	s26 =	sand.u32 $0x1800, s13;
	s0 =	simm.s32 @!p0 $0x11000  }
0x10a: {  	[tilespmem:s0], [sflag:$0x9] =	stream.indirect_vreg.gather @!p0 [hbm4b:s6+s2], $0x80, v4, vm1, $0xb8;
	[tilespmem:$0x18400] =	vst v63  }
0x10b: {  	s30 =	simm.s32 $0x0;
	s3 =	sshll.u32 s25, $0x3;
	s0 =	simm.s32 @!p0 $0x11800  }
0x10c: {  	[tilespmem:s0], [sflag:$0x9] =	stream.indirect_vreg.gather @!p0 [hbm4b:s6+s2], $0x80, v3, vm1, $0xb8;
	[tilespmem:$0x18400] =	vst v63  }
0x10d: {  	s1 =	sor.u32 s3, s26;
	s2 =	sand.u32 $0x380, s30  }
0x10e: {  	s1 =	sor.u32 s2, s1  }
0x10f: {  	v3 =	vld [tilespmem:s1+$0x14070]  }
0x110: {  	s31 =	simm.s32 $0x0;
	v4 =	vld [tilespmem:s1+$0x14000]  }
0x111: {  	s10 =	sand.u32 $0x2000, s13;
	s3 =	sand.u32 $0x1000, s31;
	v5 =	vld [tilespmem:s1+$0x14010]  }
0x112: {  	s3 =	sor.u32 s3, s10;
	s0 =	sshll.u32 s25, $0x4;
	v6 =	vld [tilespmem:s1+$0x14020]  }
0x113: {  	s0 =	sor.u32 s0, s3;
	v7 =	vld [tilespmem:s1+$0x14030]  }
0x114: {  	s0 =	sor.u32 s2, s0;
	v8 =	vld [tilespmem:s1+$0x14040]  }
0x115: {  	v10 =	vld [tilespmem:s1+$0x14060];
	s2 =	sor.u32 $0x8460, s0;
	v9 =	vshll.u32 v3, $0x10  }
0x116: {  	s14 =	sor.u32 $0x8000, s0;
	v62 =	vshll.u32 v4, $0x10;
	[tilespmem:s2+$0x0] =	vst.add.f32.msk $0xffff, v9  }
0x117: {  	s16 =	sor.u32 $0x8020, s0;
	v63 =	vshll.u32 v5, $0x10;
	[tilespmem:s14+$0x0] =	vst.add.f32.msk $0xffff, v62  }
0x118: {  	s12 =	sor.u32 $0x8470, s0;
	v3 =	vand.u32 $0xFFFF0000, v3;
	[tilespmem:s16+$0x0] =	vst.add.f32.msk $0xffff, v63  }
0x119: {  	[tilespmem:s12+$0x0] =	vst.add.f32.msk $0xffff, v3  }
0x11a: {  	s15 =	sor.u32 $0x8010, s0;
	v4 =	vand.u32 $0xFFFF0000, v4;
	v3 =	vld [tilespmem:s1+$0x14050]  }
0x11b: {  	s17 =	sor.u32 $0x8030, s0;
	[tilespmem:s15+$0x0] =	vst.add.f32.msk $0xffff, v4;
	v4 =	vand.u32 $0xFFFF0000, v5  }
0x11c: {  	s18 =	sor.u32 $0x8040, s0;
	v5 =	vshll.u32 v6, $0x10;
	[tilespmem:s17+$0x0] =	vst.add.f32.msk $0xffff, v4  }
0x11d: {  	s23 =	sor.u32 $0x8050, s0;
	v4 =	vand.u32 $0xFFFF0000, v6;
	[tilespmem:s18+$0x0] =	vst.add.f32.msk $0xffff, v5  }
0x11e: {  	s24 =	sor.u32 $0x8060, s0;
	v5 =	vshll.u32 v7, $0x10;
	[tilespmem:s23+$0x0] =	vst.add.f32.msk $0xffff, v4  }
0x11f: {  	s25 =	sor.u32 $0x8070, s0;
	v4 =	vand.u32 $0xFFFF0000, v7;
	[tilespmem:s24+$0x0] =	vst.add.f32.msk $0xffff, v5  }
0x120: {  	s28 =	simm.s32 $0x80;
	s30 =	sor.u32 $0x8400, s0;
	v5 =	vshll.u32 v8, $0x10;
	[tilespmem:s25+$0x0] =	vst.add.f32.msk $0xffff, v4  }
0x121: {  	s26 =	simm.s32 $0x0;
	s31 =	sor.u32 $0x8410, s0;
	s29 =	sor.u32 $0x8440, s0;
	v7 =	vand.u32 $0xFFFF0000, v8;
	[tilespmem:s30+$0x0] =	vst.add.f32.msk $0xffff, v5;
	v4 =	vshll.u32 v10, $0x10  }
0x122: {  	s14 =	sor.u32 $0x8450, s0;
	s15 =	sor.u32 $0x8420, s0;
	s12 =	sor.u32 $0x8430, s0;
	[tilespmem:s31+$0x0] =	vst.add.f32.msk $0xffff, v7;
	v6 =	vshll.u32 v3, $0x10;
	v5 =	vand.u32 $0xFFFF0000, v3;
	v3 =	vand.u32 $0xFFFF0000, v10  }
.LBB2_7:
0x123: {  	s26 =	sadd.s32 $0x8, s26;
	s0 =	sand.u32 $0x80, s28;
	[tilespmem:s15+$0x0] =	vst.add.f32.msk $0xffff, v6  }
0x124: {  	s1 =	sand.u32 $0x1800, s28;
	s2 =	sshll.u32 s26, $0x3;
	s3 =	sshll.u32 s0, $0x3;
	[tilespmem:s12+$0x0] =	vst.add.f32.msk $0xffff, v5  }
0x125: {  	p1 =	slt.u32 s26, $0x1F8;
	s2 =	sand.u32 $0x380, s2;
	s1 =	sor.u32 s3, s1;
	[tilespmem:s29+$0x0] =	vst.add.f32.msk $0xffff, v4  }
0x126: {  	s1 =	sor.u32 s2, s1;
	[tilespmem:s14+$0x0] =	vst.add.f32.msk $0xffff, v3  }
0x127: {  	s13 =	sadd.s32 $0x200, s13;
	s3 =	sshll.u32 s26, $0x4;
	v3 =	vld [tilespmem:s1+$0x14070]  }
0x128: {  	s10 =	sand.u32 $0x2000, s13;
	s3 =	sand.u32 $0x1000, s3;
	v4 =	vld [tilespmem:s1+$0x14000]  }
0x129: {  	s0 =	sshll.u32 s0, $0x4;
	s3 =	sor.u32 s3, s10;
	v5 =	vld [tilespmem:s1+$0x14010]  }
0x12a: {  	s0 =	sor.u32 s0, s3;
	v6 =	vld [tilespmem:s1+$0x14020]  }
0x12b: {  	s0 =	sor.u32 s2, s0;
	v7 =	vld [tilespmem:s1+$0x14030]  }
0x12c: {  	s2 =	sor.u32 $0x8000, s0;
	s3 =	sor.u32 $0x8010, s0;
	s10 =	sor.u32 $0x8460, s0;
	v8 =	vld [tilespmem:s1+$0x14040];
	v9 =	vshll.u32 v3, $0x10  }
0x12d: {  	s16 =	sor.u32 $0x8020, s0;
	s17 =	sor.u32 $0x8030, s0;
	v3 =	vand.u32 $0xFFFF0000, v3;
	v10 =	vshll.u32 v4, $0x10;
	v4 =	vand.u32 $0xFFFF0000, v4;
	[tilespmem:s10+$0x0] =	vst.add.f32.msk $0xffff, v9;
	s10 =	sor.u32 $0x8470, s0  }
0x12e: {  	s18 =	sor.u32 $0x8040, s0;
	s23 =	sor.u32 $0x8050, s0;
	s24 =	sor.u32 $0x8060, s0;
	v9 =	vshll.u32 v5, $0x10;
	v5 =	vand.u32 $0xFFFF0000, v5;
	[tilespmem:s10+$0x0] =	vst.add.f32.msk $0xffff, v3  }
0x12f: {  	s25 =	sor.u32 $0x8400, s0;
	s30 =	sor.u32 $0x8410, s0;
	s10 =	sor.u32 $0x8070, s0;
	v3 =	vshll.u32 v6, $0x10;
	v11 =	vand.u32 $0xFFFF0000, v6;
	v12 =	vld [tilespmem:s1+$0x14050]  }
0x130: {  	s15 =	sor.u32 $0x8420, s0;
	s12 =	sor.u32 $0x8430, s0;
	s29 =	sor.u32 $0x8440, s0;
	v13 =	vshll.u32 v7, $0x10;
	v7 =	vand.u32 $0xFFFF0000, v7;
	v14 =	vld [tilespmem:s1+$0x14060]  }
0x131: {  	s14 =	sor.u32 $0x8450, s0;
	[tilespmem:s2+$0x0] =	vst.add.f32.msk $0xffff, v10;
	v10 =	vshll.u32 v8, $0x10;
	v8 =	vand.u32 $0xFFFF0000, v8  }
0x132: {  	[tilespmem:s3+$0x0] =	vst.add.f32.msk $0xffff, v4  }
0x133: {  	[tilespmem:s16+$0x0] =	vst.add.f32.msk $0xffff, v9  }
0x134: {  	[tilespmem:s17+$0x0] =	vst.add.f32.msk $0xffff, v5;
	v6 =	vshll.u32 v12, $0x10;
	v5 =	vand.u32 $0xFFFF0000, v12  }
0x135: {  	[tilespmem:s18+$0x0] =	vst.add.f32.msk $0xffff, v3;
	v4 =	vshll.u32 v14, $0x10;
	v3 =	vand.u32 $0xFFFF0000, v14  }
.Ltmp2:
0x136: {  	[tilespmem:s23+$0x0] =	vst.add.f32.msk $0xffff, v11;
	(pc) =	sbr.rel @p1 .LBB2_7-.Ltmp2, $4  }
0x137: {  	[tilespmem:s24+$0x0] =	vst.add.f32.msk $0xffff, v13  }
0x138: {  	[tilespmem:s10+$0x0] =	vst.add.f32.msk $0xffff, v7  }
0x139: {  	[tilespmem:s25+$0x0] =	vst.add.f32.msk $0xffff, v10  }
0x13a: {  	s28 =	sadd.s32 $0x80, s28;
	[tilespmem:s30+$0x0] =	vst.add.f32.msk $0xffff, v8  }
0x13b: {  	[tilespmem:s15+$0x0] =	vst.add.f32.msk $0xffff, v6  }
0x13c: {  	[tilespmem:s29+$0x0] =	vst.add.f32.msk $0xffff, v4  }
0x13d: {  	[tilespmem:s12+$0x0] =	vst.add.f32.msk $0xffff, v5  }
0x13e: {  	s0 =	sadd.s32 s20, s11;
	s29 =	simm.s32 $0x8000;
	s28 =	simm.s32 $0x4;
	[tilespmem:s14+$0x0] =	vst.add.f32.msk $0xffff, v3  }
0x13f: {  	[hbm4b:s0+s4] =	stream.linear.scatter [tilespmem:s29], [sflag:$0x7], $0x4000, $0x38;
	[tilespmem:$0x18400] =	vst v63  }
0x140: {  	_ =	swait.ge [sflag:s28], $0x4000  }
0x141: {  	[sflag:s28] =	ssyncset.done $0x0  }
0x142: {  	[sflag:s28] =	ssyncadd.s32 $0xFFFFC000  }
0x143: {  	_ =	swait.ge [sflag:s21], $0x2000  }
0x144: {  	[sflag:s21] =	ssyncset.done $0x0  }
0x145: {  	s0 =	simm.s32 @!p0 $0x6;
	[sflag:s21] =	ssyncadd.s32 $0xFFFFE000  }
0x146: {  	_ =	swait.ge @!p0 [sflag:s0], $0x4000  }
0x147: {  	s1 =	sadd.s32 @!p0 $0x5, s8;
	[sflag:s0] =	ssyncset.done @!p0 $0x0  }
0x148: {  	[sflag:s0] =	ssyncadd.s32 @!p0 $0xFFFFC000;
	s0 =	sshll.u32 @!p0 s1, $0xB  }
0x149: {  	s2 =	simm.s32 @!p0 $0x0;
	s3 =	simm.s32 @!p0 $0x4000;
	s0 =	sadd.s32 @!p0 s0, s7  }
0x14a: {  	[tilespmem:s3], [sflag:$0x2] =	stream.linear.gather @!p0 [hbm4b:s0+s2], $0x4000, $0x38;
	[tilespmem:$0x18400] =	vst v63  }
0x14b: {  	s0 =	sshll.u32 @!p0 s1, $0x5  }
0x14c: {  	s0 =	sand.u32 @!p0 $0x3FFFFFE0, s0  }
0x14d: {  	v3 =	vld @!p0 [tilespmem:s0+$0x18000];
	_ =	sdelay $0x4  }
0x14e: {  	v4 =	vshll.u32 @!p0 v3, $0x1  }
0x14f: {  	v5 =	vlaneseq.u32 @!p0;
	v3 =	vand.u32 @!p0 $0x7, v3;
	v4 =	vand.u32 @!p0 $0xFFFFFFF0, v4  }
0x150: {  	v6 =	vshrl.u32 @!p0 v5, $0x3;
	v3 =	vor.u32 @!p0 v3, v4;
	v4 =	vand.u32 @!p0 $0x7, v5  }
0x151: {  	v6 =	vmul.u32 @!p0 $0x8, v6;
	v7 =	vperm.xlane @!p0 v3, v4  }
0x152: {  	v5 =	vor.u32 @!p0 $0x8, v5  }
0x153: {  	v3 =	vperm.xlane @!p0 v3, v5;
	v7 =	vadd.s32 @!p0 v6, v7;
	_ =	sdelay $0x1  }
0x154: {  	v3 =	vadd.s32 @!p0 v6, v3;
	_ =	sdelay $0x1  }
0x155: {  	s1 =	simm.s32 @!p0 $0x12000  }
0x156: {  	[tilespmem:s1], [sflag:$0xA] =	stream.indirect_vreg.gather @!p0 [hbm4b:s6+s2], $0x80, v7, vm1, $0xb8;
	[tilespmem:$0x18400] =	vst v63  }
0x157: {  	s1 =	simm.s32 @!p0 $0x12800  }
0x158: {  	[tilespmem:s1], [sflag:$0xA] =	stream.indirect_vreg.gather @!p0 [hbm4b:s6+s2], $0x80, v3, vm1, $0xb8;
	[tilespmem:$0x18400] =	vst v63  }
0x159: {  	v3 =	vld @!p0 [tilespmem:s0+$0x18010];
	_ =	sdelay $0x4  }
0x15a: {  	v7 =	vshll.u32 @!p0 v3, $0x1  }
0x15b: {  	v3 =	vand.u32 @!p0 $0x7, v3;
	v7 =	vand.u32 @!p0 $0xFFFFFFF0, v7  }
0x15c: {  	v3 =	vor.u32 @!p0 v3, v7  }
0x15d: {  	v4 =	vperm.xlane @!p0 v3, v4;
	_ =	sdelay $0x1  }
0x15e: {  	v3 =	vperm.xlane @!p0 v3, v5;
	v4 =	vadd.s32 @!p0 v6, v4;
	_ =	sdelay $0x1  }
0x15f: {  	v3 =	vadd.s32 @!p0 v6, v3  }
0x160: {  	s8 =	simm.s32 $0x0  }
0x161: {  	s11 =	simm.s32 $0x0;
	s30 =	sand.u32 $0x80, s8;
	s0 =	simm.s32 @!p0 $0x13000  }
0x162: {  	[tilespmem:s0], [sflag:$0xA] =	stream.indirect_vreg.gather @!p0 [hbm4b:s6+s2], $0x80, v4, vm1, $0xb8;
	[tilespmem:$0x18400] =	vst v63  }
0x163: {  	s10 =	sand.u32 $0x1800, s8;
	s12 =	sshll.u32 s30, $0x3;
	s0 =	simm.s32 @!p0 $0x13800  }
0x164: {  	[tilespmem:s0], [sflag:$0xA] =	stream.indirect_vreg.gather @!p0 [hbm4b:s6+s2], $0x80, v3, vm1, $0xb8;
	[tilespmem:$0x18400] =	vst v63  }
0x165: {  	s1 =	sor.u32 s12, s10;
	s2 =	sand.u32 $0x380, s11  }
0x166: {  	s1 =	sor.u32 s2, s1  }
0x167: {  	v3 =	vld [tilespmem:s1+$0x16070]  }
0x168: {  	s13 =	simm.s32 $0x0;
	v4 =	vld [tilespmem:s1+$0x16000]  }
0x169: {  	s3 =	sand.u32 $0x1000, s13;
	s10 =	sand.u32 $0x2000, s8;
	v5 =	vld [tilespmem:s1+$0x16010]  }
0x16a: {  	s3 =	sor.u32 s3, s10;
	s0 =	sshll.u32 s30, $0x4;
	v6 =	vld [tilespmem:s1+$0x16020]  }
0x16b: {  	s0 =	sor.u32 s0, s3;
	v7 =	vld [tilespmem:s1+$0x16030]  }
0x16c: {  	s0 =	sor.u32 s2, s0;
	v8 =	vld [tilespmem:s1+$0x16040]  }
0x16d: {  	v10 =	vld [tilespmem:s1+$0x16060];
	s2 =	sor.u32 $0xC460, s0;
	v9 =	vshll.u32 v3, $0x10  }
0x16e: {  	s15 =	sor.u32 $0xC000, s0;
	v62 =	vshll.u32 v4, $0x10;
	[tilespmem:s2+$0x0] =	vst.add.f32.msk $0xffff, v9  }
0x16f: {  	s17 =	sor.u32 $0xC020, s0;
	v63 =	vshll.u32 v5, $0x10;
	[tilespmem:s15+$0x0] =	vst.add.f32.msk $0xffff, v62  }
0x170: {  	s14 =	sor.u32 $0xC470, s0;
	v3 =	vand.u32 $0xFFFF0000, v3;
	[tilespmem:s17+$0x0] =	vst.add.f32.msk $0xffff, v63  }
0x171: {  	[tilespmem:s14+$0x0] =	vst.add.f32.msk $0xffff, v3  }
0x172: {  	s16 =	sor.u32 $0xC010, s0;
	v4 =	vand.u32 $0xFFFF0000, v4;
	v3 =	vld [tilespmem:s1+$0x16050]  }
0x173: {  	s18 =	sor.u32 $0xC030, s0;
	[tilespmem:s16+$0x0] =	vst.add.f32.msk $0xffff, v4;
	v4 =	vand.u32 $0xFFFF0000, v5  }
0x174: {  	s23 =	sor.u32 $0xC040, s0;
	v5 =	vshll.u32 v6, $0x10;
	[tilespmem:s18+$0x0] =	vst.add.f32.msk $0xffff, v4  }
0x175: {  	s24 =	sor.u32 $0xC050, s0;
	v4 =	vand.u32 $0xFFFF0000, v6;
	[tilespmem:s23+$0x0] =	vst.add.f32.msk $0xffff, v5  }
0x176: {  	s25 =	sor.u32 $0xC060, s0;
	v5 =	vshll.u32 v7, $0x10;
	[tilespmem:s24+$0x0] =	vst.add.f32.msk $0xffff, v4  }
0x177: {  	s26 =	sor.u32 $0xC070, s0;
	v4 =	vand.u32 $0xFFFF0000, v7;
	[tilespmem:s25+$0x0] =	vst.add.f32.msk $0xffff, v5  }
0x178: {  	s31 =	simm.s32 $0xC000;
	s13 =	simm.s32 $0x80;
	s28 =	sor.u32 $0xC400, s0;
	v5 =	vshll.u32 v8, $0x10;
	[tilespmem:s26+$0x0] =	vst.add.f32.msk $0xffff, v4  }
0x179: {  	s11 =	simm.s32 $0x0;
	s30 =	sor.u32 $0xC410, s0;
	s12 =	sor.u32 $0xC430, s0;
	v7 =	vand.u32 $0xFFFF0000, v8;
	[tilespmem:s28+$0x0] =	vst.add.f32.msk $0xffff, v5;
	v4 =	vshll.u32 v10, $0x10  }
0x17a: {  	s15 =	sor.u32 $0xC420, s0;
	s14 =	sor.u32 $0xC450, s0;
	s26 =	sor.u32 $0xC440, s0;
	[tilespmem:s30+$0x0] =	vst.add.f32.msk $0xffff, v7;
	v6 =	vshll.u32 v3, $0x10;
	v5 =	vand.u32 $0xFFFF0000, v3;
	v3 =	vand.u32 $0xFFFF0000, v10  }
.LBB2_9:
0x17b: {  	s11 =	sadd.s32 $0x8, s11;
	s0 =	sand.u32 $0x80, s13;
	[tilespmem:s15+$0x0] =	vst.add.f32.msk $0xffff, v6  }
0x17c: {  	s1 =	sand.u32 $0x1800, s13;
	s2 =	sshll.u32 s11, $0x3;
	s3 =	sshll.u32 s0, $0x3;
	[tilespmem:s12+$0x0] =	vst.add.f32.msk $0xffff, v5  }
0x17d: {  	p0 =	slt.u32 s11, $0x1F8;
	s2 =	sand.u32 $0x380, s2;
	s1 =	sor.u32 s3, s1;
	[tilespmem:s26+$0x0] =	vst.add.f32.msk $0xffff, v4  }
0x17e: {  	s1 =	sor.u32 s2, s1;
	[tilespmem:s14+$0x0] =	vst.add.f32.msk $0xffff, v3  }
0x17f: {  	s8 =	sadd.s32 $0x200, s8;
	s3 =	sshll.u32 s11, $0x4;
	v3 =	vld [tilespmem:s1+$0x16070]  }
0x180: {  	s10 =	sand.u32 $0x2000, s8;
	s3 =	sand.u32 $0x1000, s3;
	v4 =	vld [tilespmem:s1+$0x16000]  }
0x181: {  	s0 =	sshll.u32 s0, $0x4;
	s3 =	sor.u32 s3, s10;
	v5 =	vld [tilespmem:s1+$0x16010]  }
0x182: {  	s0 =	sor.u32 s0, s3;
	v6 =	vld [tilespmem:s1+$0x16020]  }
0x183: {  	s0 =	sor.u32 s2, s0;
	v7 =	vld [tilespmem:s1+$0x16030]  }
0x184: {  	s2 =	sor.u32 $0xC000, s0;
	s3 =	sor.u32 $0xC010, s0;
	s10 =	sor.u32 $0xC460, s0;
	v8 =	vld [tilespmem:s1+$0x16040];
	v9 =	vshll.u32 v3, $0x10  }
0x185: {  	s16 =	sor.u32 $0xC020, s0;
	s17 =	sor.u32 $0xC030, s0;
	v3 =	vand.u32 $0xFFFF0000, v3;
	v10 =	vshll.u32 v4, $0x10;
	v4 =	vand.u32 $0xFFFF0000, v4;
	[tilespmem:s10+$0x0] =	vst.add.f32.msk $0xffff, v9;
	s10 =	sor.u32 $0xC470, s0  }
0x186: {  	s18 =	sor.u32 $0xC040, s0;
	s23 =	sor.u32 $0xC050, s0;
	s24 =	sor.u32 $0xC060, s0;
	v9 =	vshll.u32 v5, $0x10;
	v5 =	vand.u32 $0xFFFF0000, v5;
	[tilespmem:s10+$0x0] =	vst.add.f32.msk $0xffff, v3  }
0x187: {  	s25 =	sor.u32 $0xC400, s0;
	s28 =	sor.u32 $0xC410, s0;
	s10 =	sor.u32 $0xC070, s0;
	v3 =	vshll.u32 v6, $0x10;
	v11 =	vand.u32 $0xFFFF0000, v6;
	v12 =	vld [tilespmem:s1+$0x16050]  }
0x188: {  	s15 =	sor.u32 $0xC420, s0;
	s12 =	sor.u32 $0xC430, s0;
	s26 =	sor.u32 $0xC440, s0;
	v13 =	vshll.u32 v7, $0x10;
	v7 =	vand.u32 $0xFFFF0000, v7;
	v14 =	vld [tilespmem:s1+$0x16060]  }
0x189: {  	s14 =	sor.u32 $0xC450, s0;
	[tilespmem:s2+$0x0] =	vst.add.f32.msk $0xffff, v10;
	v10 =	vshll.u32 v8, $0x10;
	v8 =	vand.u32 $0xFFFF0000, v8  }
0x18a: {  	[tilespmem:s3+$0x0] =	vst.add.f32.msk $0xffff, v4  }
0x18b: {  	[tilespmem:s16+$0x0] =	vst.add.f32.msk $0xffff, v9  }
0x18c: {  	[tilespmem:s17+$0x0] =	vst.add.f32.msk $0xffff, v5;
	v6 =	vshll.u32 v12, $0x10;
	v5 =	vand.u32 $0xFFFF0000, v12  }
0x18d: {  	[tilespmem:s18+$0x0] =	vst.add.f32.msk $0xffff, v3;
	v4 =	vshll.u32 v14, $0x10;
	v3 =	vand.u32 $0xFFFF0000, v14  }
.Ltmp3:
0x18e: {  	[tilespmem:s23+$0x0] =	vst.add.f32.msk $0xffff, v11;
	(pc) =	sbr.rel @p0 .LBB2_9-.Ltmp3, $4  }
0x18f: {  	[tilespmem:s24+$0x0] =	vst.add.f32.msk $0xffff, v13  }
0x190: {  	[tilespmem:s10+$0x0] =	vst.add.f32.msk $0xffff, v7  }
0x191: {  	[tilespmem:s25+$0x0] =	vst.add.f32.msk $0xffff, v10  }
0x192: {  	s13 =	sadd.s32 $0x80, s13;
	[tilespmem:s28+$0x0] =	vst.add.f32.msk $0xffff, v8  }
0x193: {  	s22 =	sadd.s32 $0x1, s22  }
0x194: {  	p0 =	sne.s32 s22, $0x8  }
.Ltmp4:
0x195: {  	[tilespmem:s15+$0x0] =	vst.add.f32.msk $0xffff, v6;
	(pc) =	sbr.rel @p0 .LBB2_2-.Ltmp4, $4  }
0x196: {  	[tilespmem:s26+$0x0] =	vst.add.f32.msk $0xffff, v4  }
0x197: {  	[tilespmem:s12+$0x0] =	vst.add.f32.msk $0xffff, v5  }
0x198: {  	s0 =	sadd.s32 s20, s9;
	s17 =	smov.u32 s19;
	[tilespmem:s14+$0x0] =	vst.add.f32.msk $0xffff, v3  }
0x199: {  	[hbm4b:s0+s4] =	stream.linear.scatter [tilespmem:s31], [sflag:$0x8], $0x4000, $0x38;
	[tilespmem:$0x18400] =	vst v63  }
0x19a: {  	s0 =	simm.s32 $0x5  }
0x19b: {  	_ =	swait.ge [sflag:s0], $0x4000  }
0x19c: {  	[sflag:s0] =	ssyncset.done $0x0  }
0x19d: {  	s26 =	simm.s32 $0x6;
	[sflag:s0] =	ssyncadd.s32 $0xFFFFC000  }
0x19e: {  	_ =	swait.ge [sflag:s26], $0x4000  }
0x19f: {  	[sflag:s26] =	ssyncset.done $0x0  }
0x1a0: {  	s28 =	simm.s32 $0x7;
	[sflag:s26] =	ssyncadd.s32 $0xFFFFC000  }
0x1a1: {  	_ =	swait.ge [sflag:s28], $0x4000  }
0x1a2: {  	[sflag:s28] =	ssyncset.done $0x0  }
0x1a3: {  	s1 =	simm.s32 $0x8;
	[sflag:s28] =	ssyncadd.s32 $0xFFFFC000  }
0x1a4: {  	_ =	swait.ge [sflag:s1], $0x4000  }
0x1a5: {  	s2 =	rddreg [dreg:$0x8]  }
0x1a6: {  	s30 =	rddreg [dreg:$0x7];
	s2 =	sadd.s32 $0x1, s2  }
0x1a7: {  	p0 =	sne.s32 s2, s30  }
.Ltmp5:
0x1a8: {  	_ = 	snop;
	(pc) =	sbr.rel @p0 .LBB2_1-.Ltmp5, $3  }
0x1a9: {  	_ =	sdelay $0x1  }
0x1aa: {  	[sflag:s1] =	ssyncset.done $0x0  }
0x1ab: {  	[sflag:s1] =	ssyncadd.s32 $0xFFFFC000  }
0x1ac: {  	_ =	sfence.sel $0x180000  }
0x1ad: {  	[bflag:$0x0] =	sbarrier.arrive $0xFFFF  }
0x1ae: {  	_ =	strace $0x90000047  }
0x1af: {  	s0 =	stileid.u32;
	[bflag:$0x2] =	sbarrier.arrive $0xFFFF  }
0x1b0: {  	p0 =	sne.s32 s0, $0x0;
	s0 =	rddreg [dreg:$0x3]  }
0x1b1: {  	s0 =	sadd.s32 @!p0 $0x100000, s0  }
0x1b2: {  	[sflag:s0] =	ssyncadd.tile.s32 @!p0 $0x1;
	_ =	shalt  }
.Lfunc_end2:
_tile_overlayer_lowered:
.L_overlay_start_2:
0x1b3: {  	(tag) =	ssettag $0x2  }
0x1b4: {  	s0 =	rddreg [dreg:$0x0];
	s2 =	stileid.u32  }
0x1b5: {  	s1 =	rddreg [dreg:$0x1];
	p0 =	sne.s32 s2, $0x0  }
0x1b6: {  	s3 =	rddreg [dreg:$0x2];
	[bflag:$0x3] =	sbarrier.arrive $0xFFFF;
	s2 =	simm.s32 @!p0 $0x1C0D  }
0x1b7: {  	[timem:s3], [sflag:s2] =	dma.local @!p0 [hbm:s0], s1  }
0x1b8: {  	s0 =	simm.s32 @!p0 $0xD  }
0x1b9: {  	_ =	swait.ge @!p0 [sflag:s0], s1  }
0x1ba: {  	s1 =	ssub.s32 @!p0 $0x0, s1;
	[sflag:s0] =	ssyncset.done @!p0 $0x0  }
0x1bb: {  	[sflag:s0] =	ssyncadd.s32 @!p0 s1  }
0x1bc: {  	[bflag:$0x3] =	sbarrier.arrive $0xFFFF  }
0x1bd: {  	_ =	shalt  }

</sc_bundles>
